<compile_context>
chip_gen: v7x
topology: tpu7x:2x2x1
jax: 0.10.2.dev20260603
libtpu: 0.0.44.dev20260713+nightly
codegen_flags: <defaults>
</compile_context>

<pallas_src>
import functools

import jax
import jax.numpy as jnp
from jax import lax
from jax.experimental import pallas as pl
from jax.experimental.pallas import tpu as pltpu
from jax.experimental.pallas import tpu_sc as plsc

GSIZES = (128, 72)
UNIT = 2
NBUF = 3
LOOKAHEAD = 2
NW = 32
LANES = 16


def _sc_embed(idx, token_table, pos_table):
    nseq, s = idx.shape
    vocab, d = token_table.shape
    spw = nseq // NW
    upw = spw // UNIT
    assert s == sum(GSIZES) and nseq % NW == 0 and spw % UNIT == 0
    assert d % LANES == 0 and NBUF > LOOKAHEAD

    mesh = plsc.VectorSubcoreMesh(core_axis_name="c", subcore_axis_name="s")

    @functools.partial(
        pl.kernel,
        mesh=mesh,
        out_type=jax.ShapeDtypeStruct((nseq, s, d), jnp.float32),
        compiler_params=pltpu.CompilerParams(use_tc_tiling_on_sc=False),
        scratch_types=[
            pltpu.VMEM((s, d), jnp.float32),
            pltpu.VMEM((spw, s), jnp.int32),
        ]
        + [pltpu.VMEM((UNIT, s, d), jnp.float32)] * NBUF
        + [pltpu.SemaphoreType.DMA] * (2 * NBUF),
    )
    def body(idx_hbm, tab_hbm, pos_hbm, out_hbm, pos_v, idx_v, *rest):
        rows = rest[:NBUF]
        sems = rest[NBUF:]
        gsem = sems[:NBUF]
        ssem = sems[NBUF:]
        wid = lax.axis_index("s") * 2 + lax.axis_index("c")
        base = wid * spw
        pltpu.sync_copy(pos_hbm, pos_v)
        pltpu.sync_copy(idx_hbm.at[pl.ds(base, spw)], idx_v)

        def fire_gathers(u, b):
            for j in range(UNIT):
                off = 0
                for n in GSIZES:
                    pltpu.async_copy(
                        tab_hbm.at[idx_v.at[u * UNIT + j, pl.ds(off, n)]],
                        rows[b].at[j, pl.ds(off, n)],
                        gsem[b],
                    )
                    off += n

        def wait_unit(sem, b):
            pltpu.make_async_copy(
                out_hbm.at[pl.ds(0, UNIT)], rows[b], sem
            ).wait()

        for u0 in range(LOOKAHEAD):
            fire_gathers(u0, u0)

        def phase(i, b):
            u = i * NBUF + b
            wait_unit(gsem[b], b)

            def radd(r, rc):
                for j in range(UNIT):
                    for v in range(d // LANES):
                        vs = pl.ds(v * LANES, LANES)
                        rows[b][j, r, vs] = rows[b][j, r, vs] + pos_v[r, vs]
                return rc

            lax.fori_loop(0, s, radd, 0)
            pltpu.async_copy(
                rows[b], out_hbm.at[pl.ds(base + u * UNIT, UNIT)], ssem[b]
            )

            u2 = u + LOOKAHEAD
            b2 = (b + LOOKAHEAD) % NBUF

            @pl.when(u2 < upw)
            def _():
                @pl.when(u2 >= NBUF)
                def _():
                    wait_unit(ssem[b2], b2)

                fire_gathers(u2, b2)

            return 0

        def blk_cycle(i, carry):
            for b in range(NBUF):
                phase(i, b)
            return carry

        lax.fori_loop(0, upw // NBUF, blk_cycle, 0)
        for r in range(upw % NBUF):
            phase(jnp.int32(upw // NBUF), r)
        for b in range(NBUF):
            wait_unit(ssem[b], b)

    return body(idx, token_table, pos_table)


def kernel(inputs, token_table, pos_table):
    return _sc_embed(inputs.astype(jnp.int32), token_table, pos_table)

# --- scband reference (transcript-rebuilt; emitter-appended) ---
"""Pipeline reference for scband-positional-embedding-4509715661534 (READ-ONLY COPY).

The authoritative reference and input builder live on the scoring server;
editing this copy changes nothing except your own understanding.
"""

import jax, jax.numpy as jnp
import numpy as np

VOCAB = 1000000
SEQ_LEN = 200
EMBED = 64
BATCH = 4096

def setup_inputs(seed: int = 0) -> dict:
    key = jax.random.key(seed)
    k1, k2, k3 = jax.random.split(key, 3)
    inputs = jax.random.randint(k1, (BATCH, SEQ_LEN), 0, VOCAB, dtype=jnp.int64 if jax.config.jax_enable_x64 else jnp.int32)
    token_table = jax.random.normal(k2, (VOCAB, EMBED), dtype=jnp.float32) * 0.02
    pos_table = jax.random.normal(k3, (SEQ_LEN, EMBED), dtype=jnp.float32) * 0.02
    return {"inputs": inputs, "token_table": token_table, "pos_table": pos_table}

def reference(inputs, token_table, pos_table):
    length = inputs.shape[-1]
    positions = jnp.arange(0, length, 1)
    embedded_tokens = jnp.take(token_table, inputs, axis=0)
    embedded_positions = jnp.take(pos_table, positions, axis=0)
    return embedded_tokens + embedded_positions

if __name__ == "__main__":
    import jax
    _d = setup_inputs()
    print(jax.jit(kernel)(*tuple(_d.values())))

</pallas_src>

<mosaic_0001>
#map = affine_map<(d0, d1) -> (0, 0)>
#map1 = affine_map<(d0, d1) -> (0, 0, 0)>
module attributes {stable_mosaic.version = 14 : i64} {
  func.func @body(%arg0: i32, %arg1: i32, %arg2: memref<4096x200xi32, #tpu.memory_space<hbm>>, %arg3: memref<1000000x64xf32, #tpu.memory_space<hbm>>, %arg4: memref<200x64xf32, #tpu.memory_space<hbm>>, %arg5: memref<4096x200x64xf32, #tpu.memory_space<hbm>>, %arg6: memref<200x64xf32, #tpu.memory_space<vmem>>, %arg7: memref<128x200xi32, #tpu.memory_space<vmem>>, %arg8: memref<2x200x64xf32, #tpu.memory_space<vmem>>, %arg9: memref<2x200x64xf32, #tpu.memory_space<vmem>>, %arg10: memref<2x200x64xf32, #tpu.memory_space<vmem>>, %arg11: memref<!tpu.dma_semaphore, #tpu.memory_space<semaphore_mem>>, %arg12: memref<!tpu.dma_semaphore, #tpu.memory_space<semaphore_mem>>, %arg13: memref<!tpu.dma_semaphore, #tpu.memory_space<semaphore_mem>>, %arg14: memref<!tpu.dma_semaphore, #tpu.memory_space<semaphore_mem>>, %arg15: memref<!tpu.dma_semaphore, #tpu.memory_space<semaphore_mem>>, %arg16: memref<!tpu.dma_semaphore, #tpu.memory_space<semaphore_mem>>) attributes {dimension_semantics = [#tpu.dimension_semantics<core_parallel>, #tpu.dimension_semantics<subcore_parallel>], iteration_bounds = array<i64: 2, 16>, scalar_prefetch = 0 : i64, scratch_operands = 11 : i64, tpu.core_type = #tpu.core_type<sc_vector_subcore>, window_params = [{transform_indices = #map}, {transform_indices = #map}, {transform_indices = #map}, {transform_indices = #map1}]} {
    %mul3A = arith.constant 2 : i32
    %mul3A_0 = arith.muli %arg1, %mul3A : i32
    %add3A = arith.addi %mul3A_0, %arg0 : i32
    %mul3A_1 = arith.constant 128 : i32
    %mul3A_2 = arith.muli %add3A, %mul3A_1 : i32
    "tpu.region"() ({
      %run_scoped3A = tpu.sem_alloc : memref<!tpu.dma_semaphore, #tpu.memory_space<semaphore_mem>>
      tpu.enqueue_dma source(%arg4 : memref<200x64xf32, #tpu.memory_space<hbm>>) target(%arg6 : memref<200x64xf32, #tpu.memory_space<vmem>>) target_semaphore(%run_scoped3A : memref<!tpu.dma_semaphore, #tpu.memory_space<semaphore_mem>>)
      tpu.wait_dma2 semaphore(%run_scoped3A : memref<!tpu.dma_semaphore, #tpu.memory_space<semaphore_mem>>) src(%arg4 : memref<200x64xf32, #tpu.memory_space<hbm>>) dst(%arg6 : memref<200x64xf32, #tpu.memory_space<vmem>>)
      tpu.yield
    }) : () -> ()
    "tpu.region"() ({
      %run_scoped3A = tpu.sem_alloc : memref<!tpu.dma_semaphore, #tpu.memory_space<semaphore_mem>>
      %dma_start3A_158 = arith.constant 0 : i32
      %dma_start3A_159 = tpu.memref_slice %arg2[%mul3A_2, %dma_start3A_158] : memref<4096x200xi32, #tpu.memory_space<hbm>> -> memref<128x200xi32, #tpu.memory_space<hbm>>
      %dma_start3A_160 = arith.constant 0 : i32
      %dma_start3A_161 = tpu.memref_slice %arg2[%mul3A_2, %dma_start3A_160] : memref<4096x200xi32, #tpu.memory_space<hbm>> -> memref<128x200xi32, #tpu.memory_space<hbm>>
      tpu.enqueue_dma source(%dma_start3A_161 : memref<128x200xi32, #tpu.memory_space<hbm>>) target(%arg7 : memref<128x200xi32, #tpu.memory_space<vmem>>) target_semaphore(%run_scoped3A : memref<!tpu.dma_semaphore, #tpu.memory_space<semaphore_mem>>)
      %dma_wait3A_162 = arith.constant 0 : i32
      %dma_wait3A_163 = tpu.memref_slice %arg2[%mul3A_2, %dma_wait3A_162] : memref<4096x200xi32, #tpu.memory_space<hbm>> -> memref<128x200xi32, #tpu.memory_space<hbm>>
      %dma_wait3A_164 = arith.constant 0 : i32
      %dma_wait3A_165 = tpu.memref_slice %arg2[%mul3A_2, %dma_wait3A_164] : memref<4096x200xi32, #tpu.memory_space<hbm>> -> memref<128x200xi32, #tpu.memory_space<hbm>>
      tpu.wait_dma2 semaphore(%run_scoped3A : memref<!tpu.dma_semaphore, #tpu.memory_space<semaphore_mem>>) src(%dma_wait3A_165 : memref<128x200xi32, #tpu.memory_space<hbm>>) dst(%arg7 : memref<128x200xi32, #tpu.memory_space<vmem>>)
      tpu.yield
    }) : () -> ()
    %dma_start3A = arith.constant 0 : i32
    %dma_start3A_3 = arith.constant 0 : i32
    %dma_start3A_4 = arith.constant 0 : i32
    %dma_start3A_5 = arith.constant 0 : i32
    %dma_start3A_6 = tpu.memref_slice %arg8[%dma_start3A_3, %dma_start3A_4, %dma_start3A_5] : memref<2x200x64xf32, #tpu.memory_space<vmem>> -> memref<1x128x64xf32, #tpu.memory_space<vmem>>
    %dma_start3A_7 = tpu.memref_squeeze %dma_start3A_6 : memref<1x128x64xf32, #tpu.memory_space<vmem>> -> memref<128x64xf32, #tpu.memory_space<vmem>>
    %dma_start3A_8 = arith.constant 0 : i32
    %dma_start3A_9 = tpu.memref_slice %arg7[%dma_start3A, %dma_start3A_8] : memref<128x200xi32, #tpu.memory_space<vmem>> -> memref<1x128xi32, #tpu.memory_space<vmem>>
    %dma_start3A_10 = tpu.memref_squeeze %dma_start3A_9 : memref<1x128xi32, #tpu.memory_space<vmem>> -> memref<128xi32, #tpu.memory_space<vmem>>
    %dma_start3A_11 = arith.constant 0 : i32
    %dma_start3A_12 = arith.constant 0 : i32
    %dma_start3A_13 = tpu.memref_slice %arg3[%dma_start3A_11, %dma_start3A_12] : memref<1000000x64xf32, #tpu.memory_space<hbm>> -> memref<1000000x64xf32, #tpu.memory_space<hbm>>
    tpu.enqueue_indirect_dma source(%dma_start3A_13 : memref<1000000x64xf32, #tpu.memory_space<hbm>>) target(%dma_start3A_7 : memref<128x64xf32, #tpu.memory_space<vmem>>) offsets(%dma_start3A_10 : memref<128xi32, #tpu.memory_space<vmem>>) semaphore(%arg11 : memref<!tpu.dma_semaphore, #tpu.memory_space<semaphore_mem>>)
    %dma_start3A_14 = arith.constant 0 : i32
    %dma_start3A_15 = arith.constant 0 : i32
    %dma_start3A_16 = arith.constant 128 : i32
    %dma_start3A_17 = arith.constant 0 : i32
    %dma_start3A_18 = tpu.memref_slice %arg8[%dma_start3A_15, %dma_start3A_16, %dma_start3A_17] : memref<2x200x64xf32, #tpu.memory_space<vmem>> -> memref<1x72x64xf32, #tpu.memory_space<vmem>>
    %dma_start3A_19 = tpu.memref_squeeze %dma_start3A_18 : memref<1x72x64xf32, #tpu.memory_space<vmem>> -> memref<72x64xf32, #tpu.memory_space<vmem>>
    %dma_start3A_20 = arith.constant 128 : i32
    %dma_start3A_21 = tpu.memref_slice %arg7[%dma_start3A_14, %dma_start3A_20] : memref<128x200xi32, #tpu.memory_space<vmem>> -> memref<1x72xi32, #tpu.memory_space<vmem>>
    %dma_start3A_22 = tpu.memref_squeeze %dma_start3A_21 : memref<1x72xi32, #tpu.memory_space<vmem>> -> memref<72xi32, #tpu.memory_space<vmem>>
    %dma_start3A_23 = arith.constant 0 : i32
    %dma_start3A_24 = arith.constant 0 : i32
    %dma_start3A_25 = tpu.memref_slice %arg3[%dma_start3A_23, %dma_start3A_24] : memref<1000000x64xf32, #tpu.memory_space<hbm>> -> memref<1000000x64xf32, #tpu.memory_space<hbm>>
    tpu.enqueue_indirect_dma source(%dma_start3A_25 : memref<1000000x64xf32, #tpu.memory_space<hbm>>) target(%dma_start3A_19 : memref<72x64xf32, #tpu.memory_space<vmem>>) offsets(%dma_start3A_22 : memref<72xi32, #tpu.memory_space<vmem>>) semaphore(%arg11 : memref<!tpu.dma_semaphore, #tpu.memory_space<semaphore_mem>>)
    %dma_start3A_26 = arith.constant 1 : i32
    %dma_start3A_27 = arith.constant 1 : i32
    %dma_start3A_28 = arith.constant 0 : i32
    %dma_start3A_29 = arith.constant 0 : i32
    %dma_start3A_30 = tpu.memref_slice %arg8[%dma_start3A_27, %dma_start3A_28, %dma_start3A_29] : memref<2x200x64xf32, #tpu.memory_space<vmem>> -> memref<1x128x64xf32, #tpu.memory_space<vmem>>
    %dma_start3A_31 = tpu.memref_squeeze %dma_start3A_30 : memref<1x128x64xf32, #tpu.memory_space<vmem>> -> memref<128x64xf32, #tpu.memory_space<vmem>>
    %dma_start3A_32 = arith.constant 0 : i32
    %dma_start3A_33 = tpu.memref_slice %arg7[%dma_start3A_26, %dma_start3A_32] : memref<128x200xi32, #tpu.memory_space<vmem>> -> memref<1x128xi32, #tpu.memory_space<vmem>>
    %dma_start3A_34 = tpu.memref_squeeze %dma_start3A_33 : memref<1x128xi32, #tpu.memory_space<vmem>> -> memref<128xi32, #tpu.memory_space<vmem>>
    %dma_start3A_35 = arith.constant 0 : i32
    %dma_start3A_36 = arith.constant 0 : i32
    %dma_start3A_37 = tpu.memref_slice %arg3[%dma_start3A_35, %dma_start3A_36] : memref<1000000x64xf32, #tpu.memory_space<hbm>> -> memref<1000000x64xf32, #tpu.memory_space<hbm>>
    tpu.enqueue_indirect_dma source(%dma_start3A_37 : memref<1000000x64xf32, #tpu.memory_space<hbm>>) target(%dma_start3A_31 : memref<128x64xf32, #tpu.memory_space<vmem>>) offsets(%dma_start3A_34 : memref<128xi32, #tpu.memory_space<vmem>>) semaphore(%arg11 : memref<!tpu.dma_semaphore, #tpu.memory_space<semaphore_mem>>)
    %dma_start3A_38 = arith.constant 1 : i32
    %dma_start3A_39 = arith.constant 1 : i32
    %dma_start3A_40 = arith.constant 128 : i32
    %dma_start3A_41 = arith.constant 0 : i32
    %dma_start3A_42 = tpu.memref_slice %arg8[%dma_start3A_39, %dma_start3A_40, %dma_start3A_41] : memref<2x200x64xf32, #tpu.memory_space<vmem>> -> memref<1x72x64xf32, #tpu.memory_space<vmem>>
    %dma_start3A_43 = tpu.memref_squeeze %dma_start3A_42 : memref<1x72x64xf32, #tpu.memory_space<vmem>> -> memref<72x64xf32, #tpu.memory_space<vmem>>
    %dma_start3A_44 = arith.constant 128 : i32
    %dma_start3A_45 = tpu.memref_slice %arg7[%dma_start3A_38, %dma_start3A_44] : memref<128x200xi32, #tpu.memory_space<vmem>> -> memref<1x72xi32, #tpu.memory_space<vmem>>
    %dma_start3A_46 = tpu.memref_squeeze %dma_start3A_45 : memref<1x72xi32, #tpu.memory_space<vmem>> -> memref<72xi32, #tpu.memory_space<vmem>>
    %dma_start3A_47 = arith.constant 0 : i32
    %dma_start3A_48 = arith.constant 0 : i32
    %dma_start3A_49 = tpu.memref_slice %arg3[%dma_start3A_47, %dma_start3A_48] : memref<1000000x64xf32, #tpu.memory_space<hbm>> -> memref<1000000x64xf32, #tpu.memory_space<hbm>>
    tpu.enqueue_indirect_dma source(%dma_start3A_49 : memref<1000000x64xf32, #tpu.memory_space<hbm>>) target(%dma_start3A_43 : memref<72x64xf32, #tpu.memory_space<vmem>>) offsets(%dma_start3A_46 : memref<72xi32, #tpu.memory_space<vmem>>) semaphore(%arg11 : memref<!tpu.dma_semaphore, #tpu.memory_space<semaphore_mem>>)
    %dma_start3A_50 = arith.constant 2 : i32
    %dma_start3A_51 = arith.constant 0 : i32
    %dma_start3A_52 = arith.constant 0 : i32
    %dma_start3A_53 = arith.constant 0 : i32
    %dma_start3A_54 = tpu.memref_slice %arg9[%dma_start3A_51, %dma_start3A_52, %dma_start3A_53] : memref<2x200x64xf32, #tpu.memory_space<vmem>> -> memref<1x128x64xf32, #tpu.memory_space<vmem>>
    %dma_start3A_55 = tpu.memref_squeeze %dma_start3A_54 : memref<1x128x64xf32, #tpu.memory_space<vmem>> -> memref<128x64xf32, #tpu.memory_space<vmem>>
    %dma_start3A_56 = arith.constant 0 : i32
    %dma_start3A_57 = tpu.memref_slice %arg7[%dma_start3A_50, %dma_start3A_56] : memref<128x200xi32, #tpu.memory_space<vmem>> -> memref<1x128xi32, #tpu.memory_space<vmem>>
    %dma_start3A_58 = tpu.memref_squeeze %dma_start3A_57 : memref<1x128xi32, #tpu.memory_space<vmem>> -> memref<128xi32, #tpu.memory_space<vmem>>
    %dma_start3A_59 = arith.constant 0 : i32
    %dma_start3A_60 = arith.constant 0 : i32
    %dma_start3A_61 = tpu.memref_slice %arg3[%dma_start3A_59, %dma_start3A_60] : memref<1000000x64xf32, #tpu.memory_space<hbm>> -> memref<1000000x64xf32, #tpu.memory_space<hbm>>
    tpu.enqueue_indirect_dma source(%dma_start3A_61 : memref<1000000x64xf32, #tpu.memory_space<hbm>>) target(%dma_start3A_55 : memref<128x64xf32, #tpu.memory_space<vmem>>) offsets(%dma_start3A_58 : memref<128xi32, #tpu.memory_space<vmem>>) semaphore(%arg12 : memref<!tpu.dma_semaphore, #tpu.memory_space<semaphore_mem>>)
    %dma_start3A_62 = arith.constant 2 : i32
    %dma_start3A_63 = arith.constant 0 : i32
    %dma_start3A_64 = arith.constant 128 : i32
    %dma_start3A_65 = arith.constant 0 : i32
    %dma_start3A_66 = tpu.memref_slice %arg9[%dma_start3A_63, %dma_start3A_64, %dma_start3A_65] : memref<2x200x64xf32, #tpu.memory_space<vmem>> -> memref<1x72x64xf32, #tpu.memory_space<vmem>>
    %dma_start3A_67 = tpu.memref_squeeze %dma_start3A_66 : memref<1x72x64xf32, #tpu.memory_space<vmem>> -> memref<72x64xf32, #tpu.memory_space<vmem>>
    %dma_start3A_68 = arith.constant 128 : i32
    %dma_start3A_69 = tpu.memref_slice %arg7[%dma_start3A_62, %dma_start3A_68] : memref<128x200xi32, #tpu.memory_space<vmem>> -> memref<1x72xi32, #tpu.memory_space<vmem>>
    %dma_start3A_70 = tpu.memref_squeeze %dma_start3A_69 : memref<1x72xi32, #tpu.memory_space<vmem>> -> memref<72xi32, #tpu.memory_space<vmem>>
    %dma_start3A_71 = arith.constant 0 : i32
    %dma_start3A_72 = arith.constant 0 : i32
    %dma_start3A_73 = tpu.memref_slice %arg3[%dma_start3A_71, %dma_start3A_72] : memref<1000000x64xf32, #tpu.memory_space<hbm>> -> memref<1000000x64xf32, #tpu.memory_space<hbm>>
    tpu.enqueue_indirect_dma source(%dma_start3A_73 : memref<1000000x64xf32, #tpu.memory_space<hbm>>) target(%dma_start3A_67 : memref<72x64xf32, #tpu.memory_space<vmem>>) offsets(%dma_start3A_70 : memref<72xi32, #tpu.memory_space<vmem>>) semaphore(%arg12 : memref<!tpu.dma_semaphore, #tpu.memory_space<semaphore_mem>>)
    %dma_start3A_74 = arith.constant 3 : i32
    %dma_start3A_75 = arith.constant 1 : i32
    %dma_start3A_76 = arith.constant 0 : i32
    %dma_start3A_77 = arith.constant 0 : i32
    %dma_start3A_78 = tpu.memref_slice %arg9[%dma_start3A_75, %dma_start3A_76, %dma_start3A_77] : memref<2x200x64xf32, #tpu.memory_space<vmem>> -> memref<1x128x64xf32, #tpu.memory_space<vmem>>
    %dma_start3A_79 = tpu.memref_squeeze %dma_start3A_78 : memref<1x128x64xf32, #tpu.memory_space<vmem>> -> memref<128x64xf32, #tpu.memory_space<vmem>>
    %dma_start3A_80 = arith.constant 0 : i32
    %dma_start3A_81 = tpu.memref_slice %arg7[%dma_start3A_74, %dma_start3A_80] : memref<128x200xi32, #tpu.memory_space<vmem>> -> memref<1x128xi32, #tpu.memory_space<vmem>>
    %dma_start3A_82 = tpu.memref_squeeze %dma_start3A_81 : memref<1x128xi32, #tpu.memory_space<vmem>> -> memref<128xi32, #tpu.memory_space<vmem>>
    %dma_start3A_83 = arith.constant 0 : i32
    %dma_start3A_84 = arith.constant 0 : i32
    %dma_start3A_85 = tpu.memref_slice %arg3[%dma_start3A_83, %dma_start3A_84] : memref<1000000x64xf32, #tpu.memory_space<hbm>> -> memref<1000000x64xf32, #tpu.memory_space<hbm>>
    tpu.enqueue_indirect_dma source(%dma_start3A_85 : memref<1000000x64xf32, #tpu.memory_space<hbm>>) target(%dma_start3A_79 : memref<128x64xf32, #tpu.memory_space<vmem>>) offsets(%dma_start3A_82 : memref<128xi32, #tpu.memory_space<vmem>>) semaphore(%arg12 : memref<!tpu.dma_semaphore, #tpu.memory_space<semaphore_mem>>)
    %dma_start3A_86 = arith.constant 3 : i32
    %dma_start3A_87 = arith.constant 1 : i32
    %dma_start3A_88 = arith.constant 128 : i32
    %dma_start3A_89 = arith.constant 0 : i32
    %dma_start3A_90 = tpu.memref_slice %arg9[%dma_start3A_87, %dma_start3A_88, %dma_start3A_89] : memref<2x200x64xf32, #tpu.memory_space<vmem>> -> memref<1x72x64xf32, #tpu.memory_space<vmem>>
    %dma_start3A_91 = tpu.memref_squeeze %dma_start3A_90 : memref<1x72x64xf32, #tpu.memory_space<vmem>> -> memref<72x64xf32, #tpu.memory_space<vmem>>
    %dma_start3A_92 = arith.constant 128 : i32
    %dma_start3A_93 = tpu.memref_slice %arg7[%dma_start3A_86, %dma_start3A_92] : memref<128x200xi32, #tpu.memory_space<vmem>> -> memref<1x72xi32, #tpu.memory_space<vmem>>
    %dma_start3A_94 = tpu.memref_squeeze %dma_start3A_93 : memref<1x72xi32, #tpu.memory_space<vmem>> -> memref<72xi32, #tpu.memory_space<vmem>>
    %dma_start3A_95 = arith.constant 0 : i32
    %dma_start3A_96 = arith.constant 0 : i32
    %dma_start3A_97 = tpu.memref_slice %arg3[%dma_start3A_95, %dma_start3A_96] : memref<1000000x64xf32, #tpu.memory_space<hbm>> -> memref<1000000x64xf32, #tpu.memory_space<hbm>>
    tpu.enqueue_indirect_dma source(%dma_start3A_97 : memref<1000000x64xf32, #tpu.memory_space<hbm>>) target(%dma_start3A_91 : memref<72x64xf32, #tpu.memory_space<vmem>>) offsets(%dma_start3A_94 : memref<72xi32, #tpu.memory_space<vmem>>) semaphore(%arg12 : memref<!tpu.dma_semaphore, #tpu.memory_space<semaphore_mem>>)
    %scan3A = arith.constant 0 : i32
    %scan3A_98 = arith.constant 0 : i32
    %scan3A_99 = arith.constant 21 : i32
    %scan3A_100 = arith.addi %scan3A_98, %scan3A_99 : i32
    %scan3A_101 = arith.constant 1 : i32
    scf.for %scan3A_158 = %scan3A_98 to %scan3A_100 step %scan3A_101  : i32 {
      %mul3A_159 = arith.constant 3 : i32
      %mul3A_160 = arith.muli %scan3A_158, %mul3A_159 : i32
      %add3A_161 = arith.constant 0 : i32
      %add3A_162 = arith.addi %mul3A_160, %add3A_161 : i32
      %dma_wait3A_163 = arith.constant 0 : i32
      %dma_wait3A_164 = arith.constant 0 : i32
      %dma_wait3A_165 = arith.constant 0 : i32
      %dma_wait3A_166 = tpu.memref_slice %arg5[%dma_wait3A_163, %dma_wait3A_164, %dma_wait3A_165] : memref<4096x200x64xf32, #tpu.memory_space<hbm>> -> memref<2x200x64xf32, #tpu.memory_space<hbm>>
      %dma_wait3A_167 = arith.constant 0 : i32
      %dma_wait3A_168 = arith.constant 0 : i32
      %dma_wait3A_169 = arith.constant 0 : i32
      %dma_wait3A_170 = tpu.memref_slice %arg5[%dma_wait3A_167, %dma_wait3A_168, %dma_wait3A_169] : memref<4096x200x64xf32, #tpu.memory_space<hbm>> -> memref<2x200x64xf32, #tpu.memory_space<hbm>>
      tpu.wait_dma2 semaphore(%arg11 : memref<!tpu.dma_semaphore, #tpu.memory_space<semaphore_mem>>) src(%dma_wait3A_170 : memref<2x200x64xf32, #tpu.memory_space<hbm>>) dst(%arg8 : memref<2x200x64xf32, #tpu.memory_space<vmem>>)
      %scan3A_171 = arith.constant 0 : i32
      %scan3A_172 = arith.constant 0 : i32
      %scan3A_173 = arith.constant 200 : i32
      %scan3A_174 = arith.addi %scan3A_172, %scan3A_173 : i32
      %scan3A_175 = arith.constant 1 : i32
      scf.for %scan3A_261 = %scan3A_172 to %scan3A_174 step %scan3A_175  : i32 {
        %get3A = arith.constant 0 : i32
        %get3A_262 = arith.index_cast %get3A : i32 to index
        %get3A_263 = arith.index_cast %scan3A_261 : i32 to index
        %get3A_264 = arith.constant 0 : index
        %get3A_265 = tpu.vector_load %arg8[%get3A_262, %get3A_263, %get3A_264] {strides = array<i32>} : memref<2x200x64xf32, #tpu.memory_space<vmem>>, vector<1x1x16xf32>,
        %get3A_266 = vector.shape_cast %get3A_265 : vector<1x1x16xf32> to vector<16xf32>
        %get3A_267 = arith.index_cast %scan3A_261 : i32 to index
        %get3A_268 = arith.constant 0 : index
        %get3A_269 = tpu.vector_load %arg6[%get3A_267, %get3A_268] {strides = array<i32>} : memref<200x64xf32, #tpu.memory_space<vmem>>, vector<1x16xf32>,
        %get3A_270 = vector.shape_cast %get3A_269 : vector<1x16xf32> to vector<16xf32>
        %add3A_271 = arith.addf %get3A_266, %get3A_270 : vector<16xf32>
        %swap3A = arith.constant 0 : i32
        %swap3A_272 = arith.index_cast %swap3A : i32 to index
        %swap3A_273 = arith.index_cast %scan3A_261 : i32 to index
        %swap3A_274 = arith.constant 0 : index
        %swap3A_275 = tpu.vector_load %arg8[%swap3A_272, %swap3A_273, %swap3A_274] {strides = array<i32>} : memref<2x200x64xf32, #tpu.memory_space<vmem>>, vector<1x1x16xf32>,
        %swap3A_276 = vector.shape_cast %swap3A_275 : vector<1x1x16xf32> to vector<16xf32>
        %swap3A_277 = vector.shape_cast %add3A_271 : vector<16xf32> to vector<1x1x16xf32>
        tpu.vector_store %arg8[%swap3A_272, %swap3A_273, %swap3A_274], %swap3A_277 {strides = array<i32>} : memref<2x200x64xf32, #tpu.memory_space<vmem>>, vector<1x1x16xf32>,
        %get3A_278 = arith.constant 0 : i32
        %get3A_279 = arith.index_cast %get3A_278 : i32 to index
        %get3A_280 = arith.index_cast %scan3A_261 : i32 to index
        %get3A_281 = arith.constant 16 : index
        %get3A_282 = tpu.vector_load %arg8[%get3A_279, %get3A_280, %get3A_281] {strides = array<i32>} : memref<2x200x64xf32, #tpu.memory_space<vmem>>, vector<1x1x16xf32>,
        %get3A_283 = vector.shape_cast %get3A_282 : vector<1x1x16xf32> to vector<16xf32>
        %get3A_284 = arith.index_cast %scan3A_261 : i32 to index
        %get3A_285 = arith.constant 16 : index
        %get3A_286 = tpu.vector_load %arg6[%get3A_284, %get3A_285] {strides = array<i32>} : memref<200x64xf32, #tpu.memory_space<vmem>>, vector<1x16xf32>,
        %get3A_287 = vector.shape_cast %get3A_286 : vector<1x16xf32> to vector<16xf32>
        %add3A_288 = arith.addf %get3A_283, %get3A_287 : vector<16xf32>
        %swap3A_289 = arith.constant 0 : i32
        %swap3A_290 = arith.index_cast %swap3A_289 : i32 to index
        %swap3A_291 = arith.index_cast %scan3A_261 : i32 to index
        %swap3A_292 = arith.constant 16 : index
        %swap3A_293 = tpu.vector_load %arg8[%swap3A_290, %swap3A_291, %swap3A_292] {strides = array<i32>} : memref<2x200x64xf32, #tpu.memory_space<vmem>>, vector<1x1x16xf32>,
        %swap3A_294 = vector.shape_cast %swap3A_293 : vector<1x1x16xf32> to vector<16xf32>
        %swap3A_295 = vector.shape_cast %add3A_288 : vector<16xf32> to vector<1x1x16xf32>
        tpu.vector_store %arg8[%swap3A_290, %swap3A_291, %swap3A_292], %swap3A_295 {strides = array<i32>} : memref<2x200x64xf32, #tpu.memory_space<vmem>>, vector<1x1x16xf32>,
        %get3A_296 = arith.constant 0 : i32
        %get3A_297 = arith.index_cast %get3A_296 : i32 to index
        %get3A_298 = arith.index_cast %scan3A_261 : i32 to index
        %get3A_299 = arith.constant 32 : index
        %get3A_300 = tpu.vector_load %arg8[%get3A_297, %get3A_298, %get3A_299] {strides = array<i32>} : memref<2x200x64xf32, #tpu.memory_space<vmem>>, vector<1x1x16xf32>,
        %get3A_301 = vector.shape_cast %get3A_300 : vector<1x1x16xf32> to vector<16xf32>
        %get3A_302 = arith.index_cast %scan3A_261 : i32 to index
        %get3A_303 = arith.constant 32 : index
        %get3A_304 = tpu.vector_load %arg6[%get3A_302, %get3A_303] {strides = array<i32>} : memref<200x64xf32, #tpu.memory_space<vmem>>, vector<1x16xf32>,
        %get3A_305 = vector.shape_cast %get3A_304 : vector<1x16xf32> to vector<16xf32>
        %add3A_306 = arith.addf %get3A_301, %get3A_305 : vector<16xf32>
        %swap3A_307 = arith.constant 0 : i32
        %swap3A_308 = arith.index_cast %swap3A_307 : i32 to index
        %swap3A_309 = arith.index_cast %scan3A_261 : i32 to index
        %swap3A_310 = arith.constant 32 : index
        %swap3A_311 = tpu.vector_load %arg8[%swap3A_308, %swap3A_309, %swap3A_310] {strides = array<i32>} : memref<2x200x64xf32, #tpu.memory_space<vmem>>, vector<1x1x16xf32>,
        %swap3A_312 = vector.shape_cast %swap3A_311 : vector<1x1x16xf32> to vector<16xf32>
        %swap3A_313 = vector.shape_cast %add3A_306 : vector<16xf32> to vector<1x1x16xf32>
        tpu.vector_store %arg8[%swap3A_308, %swap3A_309, %swap3A_310], %swap3A_313 {strides = array<i32>} : memref<2x200x64xf32, #tpu.memory_space<vmem>>, vector<1x1x16xf32>,
        %get3A_314 = arith.constant 0 : i32
        %get3A_315 = arith.index_cast %get3A_314 : i32 to index
        %get3A_316 = arith.index_cast %scan3A_261 : i32 to index
        %get3A_317 = arith.constant 48 : index
        %get3A_318 = tpu.vector_load %arg8[%get3A_315, %get3A_316, %get3A_317] {strides = array<i32>} : memref<2x200x64xf32, #tpu.memory_space<vmem>>, vector<1x1x16xf32>,
        %get3A_319 = vector.shape_cast %get3A_318 : vector<1x1x16xf32> to vector<16xf32>
        %get3A_320 = arith.index_cast %scan3A_261 : i32 to index
        %get3A_321 = arith.constant 48 : index
        %get3A_322 = tpu.vector_load %arg6[%get3A_320, %get3A_321] {strides = array<i32>} : memref<200x64xf32, #tpu.memory_space<vmem>>, vector<1x16xf32>,
        %get3A_323 = vector.shape_cast %get3A_322 : vector<1x16xf32> to vector<16xf32>
        %add3A_324 = arith.addf %get3A_319, %get3A_323 : vector<16xf32>
        %swap3A_325 = arith.constant 0 : i32
        %swap3A_326 = arith.index_cast %swap3A_325 : i32 to index
        %swap3A_327 = arith.index_cast %scan3A_261 : i32 to index
        %swap3A_328 = arith.constant 48 : index
        %swap3A_329 = tpu.vector_load %arg8[%swap3A_326, %swap3A_327, %swap3A_328] {strides = array<i32>} : memref<2x200x64xf32, #tpu.memory_space<vmem>>, vector<1x1x16xf32>,
        %swap3A_330 = vector.shape_cast %swap3A_329 : vector<1x1x16xf32> to vector<16xf32>
        %swap3A_331 = vector.shape_cast %add3A_324 : vector<16xf32> to vector<1x1x16xf32>
        tpu.vector_store %arg8[%swap3A_326, %swap3A_327, %swap3A_328], %swap3A_331 {strides = array<i32>} : memref<2x200x64xf32, #tpu.memory_space<vmem>>, vector<1x1x16xf32>,
        %get3A_332 = arith.constant 1 : i32
        %get3A_333 = arith.index_cast %get3A_332 : i32 to index
        %get3A_334 = arith.index_cast %scan3A_261 : i32 to index
        %get3A_335 = arith.constant 0 : index
        %get3A_336 = tpu.vector_load %arg8[%get3A_333, %get3A_334, %get3A_335] {strides = array<i32>} : memref<2x200x64xf32, #tpu.memory_space<vmem>>, vector<1x1x16xf32>,
        %get3A_337 = vector.shape_cast %get3A_336 : vector<1x1x16xf32> to vector<16xf32>
        %get3A_338 = arith.index_cast %scan3A_261 : i32 to index
        %get3A_339 = arith.constant 0 : index
        %get3A_340 = tpu.vector_load %arg6[%get3A_338, %get3A_339] {strides = array<i32>} : memref<200x64xf32, #tpu.memory_space<vmem>>, vector<1x16xf32>,
        %get3A_341 = vector.shape_cast %get3A_340 : vector<1x16xf32> to vector<16xf32>
        %add3A_342 = arith.addf %get3A_337, %get3A_341 : vector<16xf32>
        %swap3A_343 = arith.constant 1 : i32
        %swap3A_344 = arith.index_cast %swap3A_343 : i32 to index
        %swap3A_345 = arith.index_cast %scan3A_261 : i32 to index
        %swap3A_346 = arith.constant 0 : index
        %swap3A_347 = tpu.vector_load %arg8[%swap3A_344, %swap3A_345, %swap3A_346] {strides = array<i32>} : memref<2x200x64xf32, #tpu.memory_space<vmem>>, vector<1x1x16xf32>,
        %swap3A_348 = vector.shape_cast %swap3A_347 : vector<1x1x16xf32> to vector<16xf32>
        %swap3A_349 = vector.shape_cast %add3A_342 : vector<16xf32> to vector<1x1x16xf32>
        tpu.vector_store %arg8[%swap3A_344, %swap3A_345, %swap3A_346], %swap3A_349 {strides = array<i32>} : memref<2x200x64xf32, #tpu.memory_space<vmem>>, vector<1x1x16xf32>,
        %get3A_350 = arith.constant 1 : i32
        %get3A_351 = arith.index_cast %get3A_350 : i32 to index
        %get3A_352 = arith.index_cast %scan3A_261 : i32 to index
        %get3A_353 = arith.constant 16 : index
        %get3A_354 = tpu.vector_load %arg8[%get3A_351, %get3A_352, %get3A_353] {strides = array<i32>} : memref<2x200x64xf32, #tpu.memory_space<vmem>>, vector<1x1x16xf32>,
        %get3A_355 = vector.shape_cast %get3A_354 : vector<1x1x16xf32> to vector<16xf32>
        %get3A_356 = arith.index_cast %scan3A_261 : i32 to index
        %get3A_357 = arith.constant 16 : index
        %get3A_358 = tpu.vector_load %arg6[%get3A_356, %get3A_357] {strides = array<i32>} : memref<200x64xf32, #tpu.memory_space<vmem>>, vector<1x16xf32>,
        %get3A_359 = vector.shape_cast %get3A_358 : vector<1x16xf32> to vector<16xf32>
        %add3A_360 = arith.addf %get3A_355, %get3A_359 : vector<16xf32>
        %swap3A_361 = arith.constant 1 : i32
        %swap3A_362 = arith.index_cast %swap3A_361 : i32 to index
        %swap3A_363 = arith.index_cast %scan3A_261 : i32 to index
        %swap3A_364 = arith.constant 16 : index
        %swap3A_365 = tpu.vector_load %arg8[%swap3A_362, %swap3A_363, %swap3A_364] {strides = array<i32>} : memref<2x200x64xf32, #tpu.memory_space<vmem>>, vector<1x1x16xf32>,
        %swap3A_366 = vector.shape_cast %swap3A_365 : vector<1x1x16xf32> to vector<16xf32>
        %swap3A_367 = vector.shape_cast %add3A_360 : vector<16xf32> to vector<1x1x16xf32>
        tpu.vector_store %arg8[%swap3A_362, %swap3A_363, %swap3A_364], %swap3A_367 {strides = array<i32>} : memref<2x200x64xf32, #tpu.memory_space<vmem>>, vector<1x1x16xf32>,
        %get3A_368 = arith.constant 1 : i32
        %get3A_369 = arith.index_cast %get3A_368 : i32 to index
        %get3A_370 = arith.index_cast %scan3A_261 : i32 to index
        %get3A_371 = arith.constant 32 : index
        %get3A_372 = tpu.vector_load %arg8[%get3A_369, %get3A_370, %get3A_371] {strides = array<i32>} : memref<2x200x64xf32, #tpu.memory_space<vmem>>, vector<1x1x16xf32>,
        %get3A_373 = vector.shape_cast %get3A_372 : vector<1x1x16xf32> to vector<16xf32>
        %get3A_374 = arith.index_cast %scan3A_261 : i32 to index
        %get3A_375 = arith.constant 32 : index
        %get3A_376 = tpu.vector_load %arg6[%get3A_374, %get3A_375] {strides = array<i32>} : memref<200x64xf32, #tpu.memory_space<vmem>>, vector<1x16xf32>,
        %get3A_377 = vector.shape_cast %get3A_376 : vector<1x16xf32> to vector<16xf32>
        %add3A_378 = arith.addf %get3A_373, %get3A_377 : vector<16xf32>
        %swap3A_379 = arith.constant 1 : i32
        %swap3A_380 = arith.index_cast %swap3A_379 : i32 to index
        %swap3A_381 = arith.index_cast %scan3A_261 : i32 to index
        %swap3A_382 = arith.constant 32 : index
        %swap3A_383 = tpu.vector_load %arg8[%swap3A_380, %swap3A_381, %swap3A_382] {strides = array<i32>} : memref<2x200x64xf32, #tpu.memory_space<vmem>>, vector<1x1x16xf32>,
        %swap3A_384 = vector.shape_cast %swap3A_383 : vector<1x1x16xf32> to vector<16xf32>
        %swap3A_385 = vector.shape_cast %add3A_378 : vector<16xf32> to vector<1x1x16xf32>
        tpu.vector_store %arg8[%swap3A_380, %swap3A_381, %swap3A_382], %swap3A_385 {strides = array<i32>} : memref<2x200x64xf32, #tpu.memory_space<vmem>>, vector<1x1x16xf32>,
        %get3A_386 = arith.constant 1 : i32
        %get3A_387 = arith.index_cast %get3A_386 : i32 to index
        %get3A_388 = arith.index_cast %scan3A_261 : i32 to index
        %get3A_389 = arith.constant 48 : index
        %get3A_390 = tpu.vector_load %arg8[%get3A_387, %get3A_388, %get3A_389] {strides = array<i32>} : memref<2x200x64xf32, #tpu.memory_space<vmem>>, vector<1x1x16xf32>,
        %get3A_391 = vector.shape_cast %get3A_390 : vector<1x1x16xf32> to vector<16xf32>
        %get3A_392 = arith.index_cast %scan3A_261 : i32 to index
        %get3A_393 = arith.constant 48 : index
        %get3A_394 = tpu.vector_load %arg6[%get3A_392, %get3A_393] {strides = array<i32>} : memref<200x64xf32, #tpu.memory_space<vmem>>, vector<1x16xf32>,
        %get3A_395 = vector.shape_cast %get3A_394 : vector<1x16xf32> to vector<16xf32>
        %add3A_396 = arith.addf %get3A_391, %get3A_395 : vector<16xf32>
        %swap3A_397 = arith.constant 1 : i32
        %swap3A_398 = arith.index_cast %swap3A_397 : i32 to index
        %swap3A_399 = arith.index_cast %scan3A_261 : i32 to index
        %swap3A_400 = arith.constant 48 : index
        %swap3A_401 = tpu.vector_load %arg8[%swap3A_398, %swap3A_399, %swap3A_400] {strides = array<i32>} : memref<2x200x64xf32, #tpu.memory_space<vmem>>, vector<1x1x16xf32>,
        %swap3A_402 = vector.shape_cast %swap3A_401 : vector<1x1x16xf32> to vector<16xf32>
        %swap3A_403 = vector.shape_cast %add3A_396 : vector<16xf32> to vector<1x1x16xf32>
        tpu.vector_store %arg8[%swap3A_398, %swap3A_399, %swap3A_400], %swap3A_403 {strides = array<i32>} : memref<2x200x64xf32, #tpu.memory_space<vmem>>, vector<1x1x16xf32>,
      }
      %scan3A_176 = arith.constant 200 : i32
      %mul3A_177 = arith.constant 2 : i32
      %mul3A_178 = arith.muli %add3A_162, %mul3A_177 : i32
      %add3A_179 = arith.addi %mul3A_2, %mul3A_178 : i32
      %dma_start3A_180 = arith.constant 0 : i32
      %dma_start3A_181 = arith.constant 0 : i32
      %dma_start3A_182 = tpu.memref_slice %arg5[%add3A_179, %dma_start3A_180, %dma_start3A_181] : memref<4096x200x64xf32, #tpu.memory_space<hbm>> -> memref<2x200x64xf32, #tpu.memory_space<hbm>>
      %dma_start3A_183 = arith.constant 0 : i32
      %dma_start3A_184 = arith.constant 0 : i32
      %dma_start3A_185 = tpu.memref_slice %arg5[%add3A_179, %dma_start3A_183, %dma_start3A_184] : memref<4096x200x64xf32, #tpu.memory_space<hbm>> -> memref<2x200x64xf32, #tpu.memory_space<hbm>>
      tpu.enqueue_dma source(%arg8 : memref<2x200x64xf32, #tpu.memory_space<vmem>>) target(%dma_start3A_185 : memref<2x200x64xf32, #tpu.memory_space<hbm>>) target_semaphore(%arg14 : memref<!tpu.dma_semaphore, #tpu.memory_space<semaphore_mem>>)
      %add3A_186 = arith.constant 2 : i32
      %add3A_187 = arith.addi %add3A_162, %add3A_186 : i32
      %lt3A_188 = arith.constant 64 : i32
      %lt3A_189 = arith.cmpi slt, %add3A_187, %lt3A_188 : i32
      %convert_element_type3A_190 = arith.extui %lt3A_189 : i1 to i32
      %cond3A_191 = arith.constant 0 : i32
      %cond3A_192 = arith.cmpi ne, %convert_element_type3A_190, %cond3A_191 : i32
      scf.if %cond3A_192 {
        %ge3A = arith.constant 3 : i32
        %ge3A_261 = arith.cmpi sge, %add3A_187, %ge3A : i32
        %convert_element_type3A_262 = arith.extui %ge3A_261 : i1 to i32
        %cond3A_263 = arith.constant 0 : i32
        %cond3A_264 = arith.cmpi ne, %convert_element_type3A_262, %cond3A_263 : i32
        scf.if %cond3A_264 {
          %dma_wait3A_325 = arith.constant 0 : i32
          %dma_wait3A_326 = arith.constant 0 : i32
          %dma_wait3A_327 = arith.constant 0 : i32
          %dma_wait3A_328 = tpu.memref_slice %arg5[%dma_wait3A_325, %dma_wait3A_326, %dma_wait3A_327] : memref<4096x200x64xf32, #tpu.memory_space<hbm>> -> memref<2x200x64xf32, #tpu.memory_space<hbm>>
          %dma_wait3A_329 = arith.constant 0 : i32
          %dma_wait3A_330 = arith.constant 0 : i32
          %dma_wait3A_331 = arith.constant 0 : i32
          %dma_wait3A_332 = tpu.memref_slice %arg5[%dma_wait3A_329, %dma_wait3A_330, %dma_wait3A_331] : memref<4096x200x64xf32, #tpu.memory_space<hbm>> -> memref<2x200x64xf32, #tpu.memory_space<hbm>>
          tpu.wait_dma2 semaphore(%arg16 : memref<!tpu.dma_semaphore, #tpu.memory_space<semaphore_mem>>) src(%dma_wait3A_332 : memref<2x200x64xf32, #tpu.memory_space<hbm>>) dst(%arg10 : memref<2x200x64xf32, #tpu.memory_space<vmem>>)
        } else {
        }
        %mul3A_265 = arith.constant 2 : i32
        %mul3A_266 = arith.muli %add3A_187, %mul3A_265 : i32
        %add3A_267 = arith.constant 0 : i32
        %add3A_268 = arith.addi %mul3A_266, %add3A_267 : i32
        %dma_start3A_269 = arith.constant 0 : i32
        %dma_start3A_270 = arith.constant 0 : i32
        %dma_start3A_271 = arith.constant 0 : i32
        %dma_start3A_272 = tpu.memref_slice %arg10[%dma_start3A_269, %dma_start3A_270, %dma_start3A_271] : memref<2x200x64xf32, #tpu.memory_space<vmem>> -> memref<1x128x64xf32, #tpu.memory_space<vmem>>
        %dma_start3A_273 = tpu.memref_squeeze %dma_start3A_272 : memref<1x128x64xf32, #tpu.memory_space<vmem>> -> memref<128x64xf32, #tpu.memory_space<vmem>>
        %dma_start3A_274 = arith.constant 0 : i32
        %dma_start3A_275 = tpu.memref_slice %arg7[%add3A_268, %dma_start3A_274] : memref<128x200xi32, #tpu.memory_space<vmem>> -> memref<1x128xi32, #tpu.memory_space<vmem>>
        %dma_start3A_276 = tpu.memref_squeeze %dma_start3A_275 : memref<1x128xi32, #tpu.memory_space<vmem>> -> memref<128xi32, #tpu.memory_space<vmem>>
        %dma_start3A_277 = arith.constant 0 : i32
        %dma_start3A_278 = arith.constant 0 : i32
        %dma_start3A_279 = tpu.memref_slice %arg3[%dma_start3A_277, %dma_start3A_278] : memref<1000000x64xf32, #tpu.memory_space<hbm>> -> memref<1000000x64xf32, #tpu.memory_space<hbm>>
        tpu.enqueue_indirect_dma source(%dma_start3A_279 : memref<1000000x64xf32, #tpu.memory_space<hbm>>) target(%dma_start3A_273 : memref<128x64xf32, #tpu.memory_space<vmem>>) offsets(%dma_start3A_276 : memref<128xi32, #tpu.memory_space<vmem>>) semaphore(%arg13 : memref<!tpu.dma_semaphore, #tpu.memory_space<semaphore_mem>>)
        %mul3A_280 = arith.constant 2 : i32
        %mul3A_281 = arith.muli %add3A_187, %mul3A_280 : i32
        %add3A_282 = arith.constant 0 : i32
        %add3A_283 = arith.addi %mul3A_281, %add3A_282 : i32
        %dma_start3A_284 = arith.constant 0 : i32
        %dma_start3A_285 = arith.constant 128 : i32
        %dma_start3A_286 = arith.constant 0 : i32
        %dma_start3A_287 = tpu.memref_slice %arg10[%dma_start3A_284, %dma_start3A_285, %dma_start3A_286] : memref<2x200x64xf32, #tpu.memory_space<vmem>> -> memref<1x72x64xf32, #tpu.memory_space<vmem>>
        %dma_start3A_288 = tpu.memref_squeeze %dma_start3A_287 : memref<1x72x64xf32, #tpu.memory_space<vmem>> -> memref<72x64xf32, #tpu.memory_space<vmem>>
        %dma_start3A_289 = arith.constant 128 : i32
        %dma_start3A_290 = tpu.memref_slice %arg7[%add3A_283, %dma_start3A_289] : memref<128x200xi32, #tpu.memory_space<vmem>> -> memref<1x72xi32, #tpu.memory_space<vmem>>
        %dma_start3A_291 = tpu.memref_squeeze %dma_start3A_290 : memref<1x72xi32, #tpu.memory_space<vmem>> -> memref<72xi32, #tpu.memory_space<vmem>>
        %dma_start3A_292 = arith.constant 0 : i32
        %dma_start3A_293 = arith.constant 0 : i32
        %dma_start3A_294 = tpu.memref_slice %arg3[%dma_start3A_292, %dma_start3A_293] : memref<1000000x64xf32, #tpu.memory_space<hbm>> -> memref<1000000x64xf32, #tpu.memory_space<hbm>>
        tpu.enqueue_indirect_dma source(%dma_start3A_294 : memref<1000000x64xf32, #tpu.memory_space<hbm>>) target(%dma_start3A_288 : memref<72x64xf32, #tpu.memory_space<vmem>>) offsets(%dma_start3A_291 : memref<72xi32, #tpu.memory_space<vmem>>) semaphore(%arg13 : memref<!tpu.dma_semaphore, #tpu.memory_space<semaphore_mem>>)
        %mul3A_295 = arith.constant 2 : i32
        %mul3A_296 = arith.muli %add3A_187, %mul3A_295 : i32
        %add3A_297 = arith.constant 1 : i32
        %add3A_298 = arith.addi %mul3A_296, %add3A_297 : i32
        %dma_start3A_299 = arith.constant 1 : i32
        %dma_start3A_300 = arith.constant 0 : i32
        %dma_start3A_301 = arith.constant 0 : i32
        %dma_start3A_302 = tpu.memref_slice %arg10[%dma_start3A_299, %dma_start3A_300, %dma_start3A_301] : memref<2x200x64xf32, #tpu.memory_space<vmem>> -> memref<1x128x64xf32, #tpu.memory_space<vmem>>
        %dma_start3A_303 = tpu.memref_squeeze %dma_start3A_302 : memref<1x128x64xf32, #tpu.memory_space<vmem>> -> memref<128x64xf32, #tpu.memory_space<vmem>>
        %dma_start3A_304 = arith.constant 0 : i32
        %dma_start3A_305 = tpu.memref_slice %arg7[%add3A_298, %dma_start3A_304] : memref<128x200xi32, #tpu.memory_space<vmem>> -> memref<1x128xi32, #tpu.memory_space<vmem>>
        %dma_start3A_306 = tpu.memref_squeeze %dma_start3A_305 : memref<1x128xi32, #tpu.memory_space<vmem>> -> memref<128xi32, #tpu.memory_space<vmem>>
        %dma_start3A_307 = arith.constant 0 : i32
        %dma_start3A_308 = arith.constant 0 : i32
        %dma_start3A_309 = tpu.memref_slice %arg3[%dma_start3A_307, %dma_start3A_308] : memref<1000000x64xf32, #tpu.memory_space<hbm>> -> memref<1000000x64xf32, #tpu.memory_space<hbm>>
        tpu.enqueue_indirect_dma source(%dma_start3A_309 : memref<1000000x64xf32, #tpu.memory_space<hbm>>) target(%dma_start3A_303 : memref<128x64xf32, #tpu.memory_space<vmem>>) offsets(%dma_start3A_306 : memref<128xi32, #tpu.memory_space<vmem>>) semaphore(%arg13 : memref<!tpu.dma_semaphore, #tpu.memory_space<semaphore_mem>>)
        %mul3A_310 = arith.constant 2 : i32
        %mul3A_311 = arith.muli %add3A_187, %mul3A_310 : i32
        %add3A_312 = arith.constant 1 : i32
        %add3A_313 = arith.addi %mul3A_311, %add3A_312 : i32
        %dma_start3A_314 = arith.constant 1 : i32
        %dma_start3A_315 = arith.constant 128 : i32
        %dma_start3A_316 = arith.constant 0 : i32
        %dma_start3A_317 = tpu.memref_slice %arg10[%dma_start3A_314, %dma_start3A_315, %dma_start3A_316] : memref<2x200x64xf32, #tpu.memory_space<vmem>> -> memref<1x72x64xf32, #tpu.memory_space<vmem>>
        %dma_start3A_318 = tpu.memref_squeeze %dma_start3A_317 : memref<1x72x64xf32, #tpu.memory_space<vmem>> -> memref<72x64xf32, #tpu.memory_space<vmem>>
        %dma_start3A_319 = arith.constant 128 : i32
        %dma_start3A_320 = tpu.memref_slice %arg7[%add3A_313, %dma_start3A_319] : memref<128x200xi32, #tpu.memory_space<vmem>> -> memref<1x72xi32, #tpu.memory_space<vmem>>
        %dma_start3A_321 = tpu.memref_squeeze %dma_start3A_320 : memref<1x72xi32, #tpu.memory_space<vmem>> -> memref<72xi32, #tpu.memory_space<vmem>>
        %dma_start3A_322 = arith.constant 0 : i32
        %dma_start3A_323 = arith.constant 0 : i32
        %dma_start3A_324 = tpu.memref_slice %arg3[%dma_start3A_322, %dma_start3A_323] : memref<1000000x64xf32, #tpu.memory_space<hbm>> -> memref<1000000x64xf32, #tpu.memory_space<hbm>>
        tpu.enqueue_indirect_dma source(%dma_start3A_324 : memref<1000000x64xf32, #tpu.memory_space<hbm>>) target(%dma_start3A_318 : memref<72x64xf32, #tpu.memory_space<vmem>>) offsets(%dma_start3A_321 : memref<72xi32, #tpu.memory_space<vmem>>) semaphore(%arg13 : memref<!tpu.dma_semaphore, #tpu.memory_space<semaphore_mem>>)
      } else {
      }
      %mul3A_193 = arith.constant 3 : i32
      %mul3A_194 = arith.muli %scan3A_158, %mul3A_193 : i32
      %add3A_195 = arith.constant 1 : i32
      %add3A_196 = arith.addi %mul3A_194, %add3A_195 : i32
      %dma_wait3A_197 = arith.constant 0 : i32
      %dma_wait3A_198 = arith.constant 0 : i32
      %dma_wait3A_199 = arith.constant 0 : i32
      %dma_wait3A_200 = tpu.memref_slice %arg5[%dma_wait3A_197, %dma_wait3A_198, %dma_wait3A_199] : memref<4096x200x64xf32, #tpu.memory_space<hbm>> -> memref<2x200x64xf32, #tpu.memory_space<hbm>>
      %dma_wait3A_201 = arith.constant 0 : i32
      %dma_wait3A_202 = arith.constant 0 : i32
      %dma_wait3A_203 = arith.constant 0 : i32
      %dma_wait3A_204 = tpu.memref_slice %arg5[%dma_wait3A_201, %dma_wait3A_202, %dma_wait3A_203] : memref<4096x200x64xf32, #tpu.memory_space<hbm>> -> memref<2x200x64xf32, #tpu.memory_space<hbm>>
      tpu.wait_dma2 semaphore(%arg12 : memref<!tpu.dma_semaphore, #tpu.memory_space<semaphore_mem>>) src(%dma_wait3A_204 : memref<2x200x64xf32, #tpu.memory_space<hbm>>) dst(%arg9 : memref<2x200x64xf32, #tpu.memory_space<vmem>>)
      %scan3A_205 = arith.constant 0 : i32
      %scan3A_206 = arith.constant 0 : i32
      %scan3A_207 = arith.constant 200 : i32
      %scan3A_208 = arith.addi %scan3A_206, %scan3A_207 : i32
      %scan3A_209 = arith.constant 1 : i32
      scf.for %scan3A_261 = %scan3A_206 to %scan3A_208 step %scan3A_209  : i32 {
        %get3A = arith.constant 0 : i32
        %get3A_262 = arith.index_cast %get3A : i32 to index
        %get3A_263 = arith.index_cast %scan3A_261 : i32 to index
        %get3A_264 = arith.constant 0 : index
        %get3A_265 = tpu.vector_load %arg9[%get3A_262, %get3A_263, %get3A_264] {strides = array<i32>} : memref<2x200x64xf32, #tpu.memory_space<vmem>>, vector<1x1x16xf32>,
        %get3A_266 = vector.shape_cast %get3A_265 : vector<1x1x16xf32> to vector<16xf32>
        %get3A_267 = arith.index_cast %scan3A_261 : i32 to index
        %get3A_268 = arith.constant 0 : index
        %get3A_269 = tpu.vector_load %arg6[%get3A_267, %get3A_268] {strides = array<i32>} : memref<200x64xf32, #tpu.memory_space<vmem>>, vector<1x16xf32>,
        %get3A_270 = vector.shape_cast %get3A_269 : vector<1x16xf32> to vector<16xf32>
        %add3A_271 = arith.addf %get3A_266, %get3A_270 : vector<16xf32>
        %swap3A = arith.constant 0 : i32
        %swap3A_272 = arith.index_cast %swap3A : i32 to index
        %swap3A_273 = arith.index_cast %scan3A_261 : i32 to index
        %swap3A_274 = arith.constant 0 : index
        %swap3A_275 = tpu.vector_load %arg9[%swap3A_272, %swap3A_273, %swap3A_274] {strides = array<i32>} : memref<2x200x64xf32, #tpu.memory_space<vmem>>, vector<1x1x16xf32>,
        %swap3A_276 = vector.shape_cast %swap3A_275 : vector<1x1x16xf32> to vector<16xf32>
        %swap3A_277 = vector.shape_cast %add3A_271 : vector<16xf32> to vector<1x1x16xf32>
        tpu.vector_store %arg9[%swap3A_272, %swap3A_273, %swap3A_274], %swap3A_277 {strides = array<i32>} : memref<2x200x64xf32, #tpu.memory_space<vmem>>, vector<1x1x16xf32>,
        %get3A_278 = arith.constant 0 : i32
        %get3A_279 = arith.index_cast %get3A_278 : i32 to index
        %get3A_280 = arith.index_cast %scan3A_261 : i32 to index
        %get3A_281 = arith.constant 16 : index
        %get3A_282 = tpu.vector_load %arg9[%get3A_279, %get3A_280, %get3A_281] {strides = array<i32>} : memref<2x200x64xf32, #tpu.memory_space<vmem>>, vector<1x1x16xf32>,
        %get3A_283 = vector.shape_cast %get3A_282 : vector<1x1x16xf32> to vector<16xf32>
        %get3A_284 = arith.index_cast %scan3A_261 : i32 to index
        %get3A_285 = arith.constant 16 : index
        %get3A_286 = tpu.vector_load %arg6[%get3A_284, %get3A_285] {strides = array<i32>} : memref<200x64xf32, #tpu.memory_space<vmem>>, vector<1x16xf32>,
        %get3A_287 = vector.shape_cast %get3A_286 : vector<1x16xf32> to vector<16xf32>
        %add3A_288 = arith.addf %get3A_283, %get3A_287 : vector<16xf32>
        %swap3A_289 = arith.constant 0 : i32
        %swap3A_290 = arith.index_cast %swap3A_289 : i32 to index
        %swap3A_291 = arith.index_cast %scan3A_261 : i32 to index
        %swap3A_292 = arith.constant 16 : index
        %swap3A_293 = tpu.vector_load %arg9[%swap3A_290, %swap3A_291, %swap3A_292] {strides = array<i32>} : memref<2x200x64xf32, #tpu.memory_space<vmem>>, vector<1x1x16xf32>,
        %swap3A_294 = vector.shape_cast %swap3A_293 : vector<1x1x16xf32> to vector<16xf32>
        %swap3A_295 = vector.shape_cast %add3A_288 : vector<16xf32> to vector<1x1x16xf32>
        tpu.vector_store %arg9[%swap3A_290, %swap3A_291, %swap3A_292], %swap3A_295 {strides = array<i32>} : memref<2x200x64xf32, #tpu.memory_space<vmem>>, vector<1x1x16xf32>,
        %get3A_296 = arith.constant 0 : i32
        %get3A_297 = arith.index_cast %get3A_296 : i32 to index
        %get3A_298 = arith.index_cast %scan3A_261 : i32 to index
        %get3A_299 = arith.constant 32 : index
        %get3A_300 = tpu.vector_load %arg9[%get3A_297, %get3A_298, %get3A_299] {strides = array<i32>} : memref<2x200x64xf32, #tpu.memory_space<vmem>>, vector<1x1x16xf32>,
        %get3A_301 = vector.shape_cast %get3A_300 : vector<1x1x16xf32> to vector<16xf32>
        %get3A_302 = arith.index_cast %scan3A_261 : i32 to index
        %get3A_303 = arith.constant 32 : index
        %get3A_304 = tpu.vector_load %arg6[%get3A_302, %get3A_303] {strides = array<i32>} : memref<200x64xf32, #tpu.memory_space<vmem>>, vector<1x16xf32>,
        %get3A_305 = vector.shape_cast %get3A_304 : vector<1x16xf32> to vector<16xf32>
        %add3A_306 = arith.addf %get3A_301, %get3A_305 : vector<16xf32>
        %swap3A_307 = arith.constant 0 : i32
        %swap3A_308 = arith.index_cast %swap3A_307 : i32 to index
        %swap3A_309 = arith.index_cast %scan3A_261 : i32 to index
        %swap3A_310 = arith.constant 32 : index
        %swap3A_311 = tpu.vector_load %arg9[%swap3A_308, %swap3A_309, %swap3A_310] {strides = array<i32>} : memref<2x200x64xf32, #tpu.memory_space<vmem>>, vector<1x1x16xf32>,
        %swap3A_312 = vector.shape_cast %swap3A_311 : vector<1x1x16xf32> to vector<16xf32>
        %swap3A_313 = vector.shape_cast %add3A_306 : vector<16xf32> to vector<1x1x16xf32>
        tpu.vector_store %arg9[%swap3A_308, %swap3A_309, %swap3A_310], %swap3A_313 {strides = array<i32>} : memref<2x200x64xf32, #tpu.memory_space<vmem>>, vector<1x1x16xf32>,
        %get3A_314 = arith.constant 0 : i32
        %get3A_315 = arith.index_cast %get3A_314 : i32 to index
        %get3A_316 = arith.index_cast %scan3A_261 : i32 to index
        %get3A_317 = arith.constant 48 : index
        %get3A_318 = tpu.vector_load %arg9[%get3A_315, %get3A_316, %get3A_317] {strides = array<i32>} : memref<2x200x64xf32, #tpu.memory_space<vmem>>, vector<1x1x16xf32>,
        %get3A_319 = vector.shape_cast %get3A_318 : vector<1x1x16xf32> to vector<16xf32>
        %get3A_320 = arith.index_cast %scan3A_261 : i32 to index
        %get3A_321 = arith.constant 48 : index
        %get3A_322 = tpu.vector_load %arg6[%get3A_320, %get3A_321] {strides = array<i32>} : memref<200x64xf32, #tpu.memory_space<vmem>>, vector<1x16xf32>,
        %get3A_323 = vector.shape_cast %get3A_322 : vector<1x16xf32> to vector<16xf32>
        %add3A_324 = arith.addf %get3A_319, %get3A_323 : vector<16xf32>
        %swap3A_325 = arith.constant 0 : i32
        %swap3A_326 = arith.index_cast %swap3A_325 : i32 to index
        %swap3A_327 = arith.index_cast %scan3A_261 : i32 to index
        %swap3A_328 = arith.constant 48 : index
        %swap3A_329 = tpu.vector_load %arg9[%swap3A_326, %swap3A_327, %swap3A_328] {strides = array<i32>} : memref<2x200x64xf32, #tpu.memory_space<vmem>>, vector<1x1x16xf32>,
        %swap3A_330 = vector.shape_cast %swap3A_329 : vector<1x1x16xf32> to vector<16xf32>
        %swap3A_331 = vector.shape_cast %add3A_324 : vector<16xf32> to vector<1x1x16xf32>
        tpu.vector_store %arg9[%swap3A_326, %swap3A_327, %swap3A_328], %swap3A_331 {strides = array<i32>} : memref<2x200x64xf32, #tpu.memory_space<vmem>>, vector<1x1x16xf32>,
        %get3A_332 = arith.constant 1 : i32
        %get3A_333 = arith.index_cast %get3A_332 : i32 to index
        %get3A_334 = arith.index_cast %scan3A_261 : i32 to index
        %get3A_335 = arith.constant 0 : index
        %get3A_336 = tpu.vector_load %arg9[%get3A_333, %get3A_334, %get3A_335] {strides = array<i32>} : memref<2x200x64xf32, #tpu.memory_space<vmem>>, vector<1x1x16xf32>,
        %get3A_337 = vector.shape_cast %get3A_336 : vector<1x1x16xf32> to vector<16xf32>
        %get3A_338 = arith.index_cast %scan3A_261 : i32 to index
        %get3A_339 = arith.constant 0 : index
        %get3A_340 = tpu.vector_load %arg6[%get3A_338, %get3A_339] {strides = array<i32>} : memref<200x64xf32, #tpu.memory_space<vmem>>, vector<1x16xf32>,
        %get3A_341 = vector.shape_cast %get3A_340 : vector<1x16xf32> to vector<16xf32>
        %add3A_342 = arith.addf %get3A_337, %get3A_341 : vector<16xf32>
        %swap3A_343 = arith.constant 1 : i32
        %swap3A_344 = arith.index_cast %swap3A_343 : i32 to index
        %swap3A_345 = arith.index_cast %scan3A_261 : i32 to index
        %swap3A_346 = arith.constant 0 : index
        %swap3A_347 = tpu.vector_load %arg9[%swap3A_344, %swap3A_345, %swap3A_346] {strides = array<i32>} : memref<2x200x64xf32, #tpu.memory_space<vmem>>, vector<1x1x16xf32>,
        %swap3A_348 = vector.shape_cast %swap3A_347 : vector<1x1x16xf32> to vector<16xf32>
        %swap3A_349 = vector.shape_cast %add3A_342 : vector<16xf32> to vector<1x1x16xf32>
        tpu.vector_store %arg9[%swap3A_344, %swap3A_345, %swap3A_346], %swap3A_349 {strides = array<i32>} : memref<2x200x64xf32, #tpu.memory_space<vmem>>, vector<1x1x16xf32>,
        %get3A_350 = arith.constant 1 : i32
        %get3A_351 = arith.index_cast %get3A_350 : i32 to index
        %get3A_352 = arith.index_cast %scan3A_261 : i32 to index
        %get3A_353 = arith.constant 16 : index
        %get3A_354 = tpu.vector_load %arg9[%get3A_351, %get3A_352, %get3A_353] {strides = array<i32>} : memref<2x200x64xf32, #tpu.memory_space<vmem>>, vector<1x1x16xf32>,
        %get3A_355 = vector.shape_cast %get3A_354 : vector<1x1x16xf32> to vector<16xf32>
        %get3A_356 = arith.index_cast %scan3A_261 : i32 to index
        %get3A_357 = arith.constant 16 : index
        %get3A_358 = tpu.vector_load %arg6[%get3A_356, %get3A_357] {strides = array<i32>} : memref<200x64xf32, #tpu.memory_space<vmem>>, vector<1x16xf32>,
        %get3A_359 = vector.shape_cast %get3A_358 : vector<1x16xf32> to vector<16xf32>
        %add3A_360 = arith.addf %get3A_355, %get3A_359 : vector<16xf32>
        %swap3A_361 = arith.constant 1 : i32
        %swap3A_362 = arith.index_cast %swap3A_361 : i32 to index
        %swap3A_363 = arith.index_cast %scan3A_261 : i32 to index
        %swap3A_364 = arith.constant 16 : index
        %swap3A_365 = tpu.vector_load %arg9[%swap3A_362, %swap3A_363, %swap3A_364] {strides = array<i32>} : memref<2x200x64xf32, #tpu.memory_space<vmem>>, vector<1x1x16xf32>,
        %swap3A_366 = vector.shape_cast %swap3A_365 : vector<1x1x16xf32> to vector<16xf32>
        %swap3A_367 = vector.shape_cast %add3A_360 : vector<16xf32> to vector<1x1x16xf32>
        tpu.vector_store %arg9[%swap3A_362, %swap3A_363, %swap3A_364], %swap3A_367 {strides = array<i32>} : memref<2x200x64xf32, #tpu.memory_space<vmem>>, vector<1x1x16xf32>,
        %get3A_368 = arith.constant 1 : i32
        %get3A_369 = arith.index_cast %get3A_368 : i32 to index
        %get3A_370 = arith.index_cast %scan3A_261 : i32 to index
        %get3A_371 = arith.constant 32 : index
        %get3A_372 = tpu.vector_load %arg9[%get3A_369, %get3A_370, %get3A_371] {strides = array<i32>} : memref<2x200x64xf32, #tpu.memory_space<vmem>>, vector<1x1x16xf32>,
        %get3A_373 = vector.shape_cast %get3A_372 : vector<1x1x16xf32> to vector<16xf32>
        %get3A_374 = arith.index_cast %scan3A_261 : i32 to index
        %get3A_375 = arith.constant 32 : index
        %get3A_376 = tpu.vector_load %arg6[%get3A_374, %get3A_375] {strides = array<i32>} : memref<200x64xf32, #tpu.memory_space<vmem>>, vector<1x16xf32>,
        %get3A_377 = vector.shape_cast %get3A_376 : vector<1x16xf32> to vector<16xf32>
        %add3A_378 = arith.addf %get3A_373, %get3A_377 : vector<16xf32>
        %swap3A_379 = arith.constant 1 : i32
        %swap3A_380 = arith.index_cast %swap3A_379 : i32 to index
        %swap3A_381 = arith.index_cast %scan3A_261 : i32 to index
        %swap3A_382 = arith.constant 32 : index
        %swap3A_383 = tpu.vector_load %arg9[%swap3A_380, %swap3A_381, %swap3A_382] {strides = array<i32>} : memref<2x200x64xf32, #tpu.memory_space<vmem>>, vector<1x1x16xf32>,
        %swap3A_384 = vector.shape_cast %swap3A_383 : vector<1x1x16xf32> to vector<16xf32>
        %swap3A_385 = vector.shape_cast %add3A_378 : vector<16xf32> to vector<1x1x16xf32>
        tpu.vector_store %arg9[%swap3A_380, %swap3A_381, %swap3A_382], %swap3A_385 {strides = array<i32>} : memref<2x200x64xf32, #tpu.memory_space<vmem>>, vector<1x1x16xf32>,
        %get3A_386 = arith.constant 1 : i32
        %get3A_387 = arith.index_cast %get3A_386 : i32 to index
        %get3A_388 = arith.index_cast %scan3A_261 : i32 to index
        %get3A_389 = arith.constant 48 : index
        %get3A_390 = tpu.vector_load %arg9[%get3A_387, %get3A_388, %get3A_389] {strides = array<i32>} : memref<2x200x64xf32, #tpu.memory_space<vmem>>, vector<1x1x16xf32>,
        %get3A_391 = vector.shape_cast %get3A_390 : vector<1x1x16xf32> to vector<16xf32>
        %get3A_392 = arith.index_cast %scan3A_261 : i32 to index
        %get3A_393 = arith.constant 48 : index
        %get3A_394 = tpu.vector_load %arg6[%get3A_392, %get3A_393] {strides = array<i32>} : memref<200x64xf32, #tpu.memory_space<vmem>>, vector<1x16xf32>,
        %get3A_395 = vector.shape_cast %get3A_394 : vector<1x16xf32> to vector<16xf32>
        %add3A_396 = arith.addf %get3A_391, %get3A_395 : vector<16xf32>
        %swap3A_397 = arith.constant 1 : i32
        %swap3A_398 = arith.index_cast %swap3A_397 : i32 to index
        %swap3A_399 = arith.index_cast %scan3A_261 : i32 to index
        %swap3A_400 = arith.constant 48 : index
        %swap3A_401 = tpu.vector_load %arg9[%swap3A_398, %swap3A_399, %swap3A_400] {strides = array<i32>} : memref<2x200x64xf32, #tpu.memory_space<vmem>>, vector<1x1x16xf32>,
        %swap3A_402 = vector.shape_cast %swap3A_401 : vector<1x1x16xf32> to vector<16xf32>
        %swap3A_403 = vector.shape_cast %add3A_396 : vector<16xf32> to vector<1x1x16xf32>
        tpu.vector_store %arg9[%swap3A_398, %swap3A_399, %swap3A_400], %swap3A_403 {strides = array<i32>} : memref<2x200x64xf32, #tpu.memory_space<vmem>>, vector<1x1x16xf32>,
      }
      %scan3A_210 = arith.constant 200 : i32
      %mul3A_211 = arith.constant 2 : i32
      %mul3A_212 = arith.muli %add3A_196, %mul3A_211 : i32
      %add3A_213 = arith.addi %mul3A_2, %mul3A_212 : i32
      %dma_start3A_214 = arith.constant 0 : i32
      %dma_start3A_215 = arith.constant 0 : i32
      %dma_start3A_216 = tpu.memref_slice %arg5[%add3A_213, %dma_start3A_214, %dma_start3A_215] : memref<4096x200x64xf32, #tpu.memory_space<hbm>> -> memref<2x200x64xf32, #tpu.memory_space<hbm>>
      %dma_start3A_217 = arith.constant 0 : i32
      %dma_start3A_218 = arith.constant 0 : i32
      %dma_start3A_219 = tpu.memref_slice %arg5[%add3A_213, %dma_start3A_217, %dma_start3A_218] : memref<4096x200x64xf32, #tpu.memory_space<hbm>> -> memref<2x200x64xf32, #tpu.memory_space<hbm>>
      tpu.enqueue_dma source(%arg9 : memref<2x200x64xf32, #tpu.memory_space<vmem>>) target(%dma_start3A_219 : memref<2x200x64xf32, #tpu.memory_space<hbm>>) target_semaphore(%arg15 : memref<!tpu.dma_semaphore, #tpu.memory_space<semaphore_mem>>)
      %add3A_220 = arith.constant 2 : i32
      %add3A_221 = arith.addi %add3A_196, %add3A_220 : i32
      %lt3A_222 = arith.constant 64 : i32
      %lt3A_223 = arith.cmpi slt, %add3A_221, %lt3A_222 : i32
      %convert_element_type3A_224 = arith.extui %lt3A_223 : i1 to i32
      %cond3A_225 = arith.constant 0 : i32
      %cond3A_226 = arith.cmpi ne, %convert_element_type3A_224, %cond3A_225 : i32
      scf.if %cond3A_226 {
        %ge3A = arith.constant 3 : i32
        %ge3A_261 = arith.cmpi sge, %add3A_221, %ge3A : i32
        %convert_element_type3A_262 = arith.extui %ge3A_261 : i1 to i32
        %cond3A_263 = arith.constant 0 : i32
        %cond3A_264 = arith.cmpi ne, %convert_element_type3A_262, %cond3A_263 : i32
        scf.if %cond3A_264 {
          %dma_wait3A_325 = arith.constant 0 : i32
          %dma_wait3A_326 = arith.constant 0 : i32
          %dma_wait3A_327 = arith.constant 0 : i32
          %dma_wait3A_328 = tpu.memref_slice %arg5[%dma_wait3A_325, %dma_wait3A_326, %dma_wait3A_327] : memref<4096x200x64xf32, #tpu.memory_space<hbm>> -> memref<2x200x64xf32, #tpu.memory_space<hbm>>
          %dma_wait3A_329 = arith.constant 0 : i32
          %dma_wait3A_330 = arith.constant 0 : i32
          %dma_wait3A_331 = arith.constant 0 : i32
          %dma_wait3A_332 = tpu.memref_slice %arg5[%dma_wait3A_329, %dma_wait3A_330, %dma_wait3A_331] : memref<4096x200x64xf32, #tpu.memory_space<hbm>> -> memref<2x200x64xf32, #tpu.memory_space<hbm>>
          tpu.wait_dma2 semaphore(%arg14 : memref<!tpu.dma_semaphore, #tpu.memory_space<semaphore_mem>>) src(%dma_wait3A_332 : memref<2x200x64xf32, #tpu.memory_space<hbm>>) dst(%arg8 : memref<2x200x64xf32, #tpu.memory_space<vmem>>)
        } else {
        }
        %mul3A_265 = arith.constant 2 : i32
        %mul3A_266 = arith.muli %add3A_221, %mul3A_265 : i32
        %add3A_267 = arith.constant 0 : i32
        %add3A_268 = arith.addi %mul3A_266, %add3A_267 : i32
        %dma_start3A_269 = arith.constant 0 : i32
        %dma_start3A_270 = arith.constant 0 : i32
        %dma_start3A_271 = arith.constant 0 : i32
        %dma_start3A_272 = tpu.memref_slice %arg8[%dma_start3A_269, %dma_start3A_270, %dma_start3A_271] : memref<2x200x64xf32, #tpu.memory_space<vmem>> -> memref<1x128x64xf32, #tpu.memory_space<vmem>>
        %dma_start3A_273 = tpu.memref_squeeze %dma_start3A_272 : memref<1x128x64xf32, #tpu.memory_space<vmem>> -> memref<128x64xf32, #tpu.memory_space<vmem>>
        %dma_start3A_274 = arith.constant 0 : i32
        %dma_start3A_275 = tpu.memref_slice %arg7[%add3A_268, %dma_start3A_274] : memref<128x200xi32, #tpu.memory_space<vmem>> -> memref<1x128xi32, #tpu.memory_space<vmem>>
        %dma_start3A_276 = tpu.memref_squeeze %dma_start3A_275 : memref<1x128xi32, #tpu.memory_space<vmem>> -> memref<128xi32, #tpu.memory_space<vmem>>
        %dma_start3A_277 = arith.constant 0 : i32
        %dma_start3A_278 = arith.constant 0 : i32
        %dma_start3A_279 = tpu.memref_slice %arg3[%dma_start3A_277, %dma_start3A_278] : memref<1000000x64xf32, #tpu.memory_space<hbm>> -> memref<1000000x64xf32, #tpu.memory_space<hbm>>
        tpu.enqueue_indirect_dma source(%dma_start3A_279 : memref<1000000x64xf32, #tpu.memory_space<hbm>>) target(%dma_start3A_273 : memref<128x64xf32, #tpu.memory_space<vmem>>) offsets(%dma_start3A_276 : memref<128xi32, #tpu.memory_space<vmem>>) semaphore(%arg11 : memref<!tpu.dma_semaphore, #tpu.memory_space<semaphore_mem>>)
        %mul3A_280 = arith.constant 2 : i32
        %mul3A_281 = arith.muli %add3A_221, %mul3A_280 : i32
        %add3A_282 = arith.constant 0 : i32
        %add3A_283 = arith.addi %mul3A_281, %add3A_282 : i32
        %dma_start3A_284 = arith.constant 0 : i32
        %dma_start3A_285 = arith.constant 128 : i32
        %dma_start3A_286 = arith.constant 0 : i32
        %dma_start3A_287 = tpu.memref_slice %arg8[%dma_start3A_284, %dma_start3A_285, %dma_start3A_286] : memref<2x200x64xf32, #tpu.memory_space<vmem>> -> memref<1x72x64xf32, #tpu.memory_space<vmem>>
        %dma_start3A_288 = tpu.memref_squeeze %dma_start3A_287 : memref<1x72x64xf32, #tpu.memory_space<vmem>> -> memref<72x64xf32, #tpu.memory_space<vmem>>
        %dma_start3A_289 = arith.constant 128 : i32
        %dma_start3A_290 = tpu.memref_slice %arg7[%add3A_283, %dma_start3A_289] : memref<128x200xi32, #tpu.memory_space<vmem>> -> memref<1x72xi32, #tpu.memory_space<vmem>>
        %dma_start3A_291 = tpu.memref_squeeze %dma_start3A_290 : memref<1x72xi32, #tpu.memory_space<vmem>> -> memref<72xi32, #tpu.memory_space<vmem>>
        %dma_start3A_292 = arith.constant 0 : i32
        %dma_start3A_293 = arith.constant 0 : i32
        %dma_start3A_294 = tpu.memref_slice %arg3[%dma_start3A_292, %dma_start3A_293] : memref<1000000x64xf32, #tpu.memory_space<hbm>> -> memref<1000000x64xf32, #tpu.memory_space<hbm>>
        tpu.enqueue_indirect_dma source(%dma_start3A_294 : memref<1000000x64xf32, #tpu.memory_space<hbm>>) target(%dma_start3A_288 : memref<72x64xf32, #tpu.memory_space<vmem>>) offsets(%dma_start3A_291 : memref<72xi32, #tpu.memory_space<vmem>>) semaphore(%arg11 : memref<!tpu.dma_semaphore, #tpu.memory_space<semaphore_mem>>)
        %mul3A_295 = arith.constant 2 : i32
        %mul3A_296 = arith.muli %add3A_221, %mul3A_295 : i32
        %add3A_297 = arith.constant 1 : i32
        %add3A_298 = arith.addi %mul3A_296, %add3A_297 : i32
        %dma_start3A_299 = arith.constant 1 : i32
        %dma_start3A_300 = arith.constant 0 : i32
        %dma_start3A_301 = arith.constant 0 : i32
        %dma_start3A_302 = tpu.memref_slice %arg8[%dma_start3A_299, %dma_start3A_300, %dma_start3A_301] : memref<2x200x64xf32, #tpu.memory_space<vmem>> -> memref<1x128x64xf32, #tpu.memory_space<vmem>>
        %dma_start3A_303 = tpu.memref_squeeze %dma_start3A_302 : memref<1x128x64xf32, #tpu.memory_space<vmem>> -> memref<128x64xf32, #tpu.memory_space<vmem>>
        %dma_start3A_304 = arith.constant 0 : i32
        %dma_start3A_305 = tpu.memref_slice %arg7[%add3A_298, %dma_start3A_304] : memref<128x200xi32, #tpu.memory_space<vmem>> -> memref<1x128xi32, #tpu.memory_space<vmem>>
        %dma_start3A_306 = tpu.memref_squeeze %dma_start3A_305 : memref<1x128xi32, #tpu.memory_space<vmem>> -> memref<128xi32, #tpu.memory_space<vmem>>
        %dma_start3A_307 = arith.constant 0 : i32
        %dma_start3A_308 = arith.constant 0 : i32
        %dma_start3A_309 = tpu.memref_slice %arg3[%dma_start3A_307, %dma_start3A_308] : memref<1000000x64xf32, #tpu.memory_space<hbm>> -> memref<1000000x64xf32, #tpu.memory_space<hbm>>
        tpu.enqueue_indirect_dma source(%dma_start3A_309 : memref<1000000x64xf32, #tpu.memory_space<hbm>>) target(%dma_start3A_303 : memref<128x64xf32, #tpu.memory_space<vmem>>) offsets(%dma_start3A_306 : memref<128xi32, #tpu.memory_space<vmem>>) semaphore(%arg11 : memref<!tpu.dma_semaphore, #tpu.memory_space<semaphore_mem>>)
        %mul3A_310 = arith.constant 2 : i32
        %mul3A_311 = arith.muli %add3A_221, %mul3A_310 : i32
        %add3A_312 = arith.constant 1 : i32
        %add3A_313 = arith.addi %mul3A_311, %add3A_312 : i32
        %dma_start3A_314 = arith.constant 1 : i32
        %dma_start3A_315 = arith.constant 128 : i32
        %dma_start3A_316 = arith.constant 0 : i32
        %dma_start3A_317 = tpu.memref_slice %arg8[%dma_start3A_314, %dma_start3A_315, %dma_start3A_316] : memref<2x200x64xf32, #tpu.memory_space<vmem>> -> memref<1x72x64xf32, #tpu.memory_space<vmem>>
        %dma_start3A_318 = tpu.memref_squeeze %dma_start3A_317 : memref<1x72x64xf32, #tpu.memory_space<vmem>> -> memref<72x64xf32, #tpu.memory_space<vmem>>
        %dma_start3A_319 = arith.constant 128 : i32
        %dma_start3A_320 = tpu.memref_slice %arg7[%add3A_313, %dma_start3A_319] : memref<128x200xi32, #tpu.memory_space<vmem>> -> memref<1x72xi32, #tpu.memory_space<vmem>>
        %dma_start3A_321 = tpu.memref_squeeze %dma_start3A_320 : memref<1x72xi32, #tpu.memory_space<vmem>> -> memref<72xi32, #tpu.memory_space<vmem>>
        %dma_start3A_322 = arith.constant 0 : i32
        %dma_start3A_323 = arith.constant 0 : i32
        %dma_start3A_324 = tpu.memref_slice %arg3[%dma_start3A_322, %dma_start3A_323] : memref<1000000x64xf32, #tpu.memory_space<hbm>> -> memref<1000000x64xf32, #tpu.memory_space<hbm>>
        tpu.enqueue_indirect_dma source(%dma_start3A_324 : memref<1000000x64xf32, #tpu.memory_space<hbm>>) target(%dma_start3A_318 : memref<72x64xf32, #tpu.memory_space<vmem>>) offsets(%dma_start3A_321 : memref<72xi32, #tpu.memory_space<vmem>>) semaphore(%arg11 : memref<!tpu.dma_semaphore, #tpu.memory_space<semaphore_mem>>)
      } else {
      }
      %mul3A_227 = arith.constant 3 : i32
      %mul3A_228 = arith.muli %scan3A_158, %mul3A_227 : i32
      %add3A_229 = arith.constant 2 : i32
      %add3A_230 = arith.addi %mul3A_228, %add3A_229 : i32
      %dma_wait3A_231 = arith.constant 0 : i32
      %dma_wait3A_232 = arith.constant 0 : i32
      %dma_wait3A_233 = arith.constant 0 : i32
      %dma_wait3A_234 = tpu.memref_slice %arg5[%dma_wait3A_231, %dma_wait3A_232, %dma_wait3A_233] : memref<4096x200x64xf32, #tpu.memory_space<hbm>> -> memref<2x200x64xf32, #tpu.memory_space<hbm>>
      %dma_wait3A_235 = arith.constant 0 : i32
      %dma_wait3A_236 = arith.constant 0 : i32
      %dma_wait3A_237 = arith.constant 0 : i32
      %dma_wait3A_238 = tpu.memref_slice %arg5[%dma_wait3A_235, %dma_wait3A_236, %dma_wait3A_237] : memref<4096x200x64xf32, #tpu.memory_space<hbm>> -> memref<2x200x64xf32, #tpu.memory_space<hbm>>
      tpu.wait_dma2 semaphore(%arg13 : memref<!tpu.dma_semaphore, #tpu.memory_space<semaphore_mem>>) src(%dma_wait3A_238 : memref<2x200x64xf32, #tpu.memory_space<hbm>>) dst(%arg10 : memref<2x200x64xf32, #tpu.memory_space<vmem>>)
      %scan3A_239 = arith.constant 0 : i32
      %scan3A_240 = arith.constant 0 : i32
      %scan3A_241 = arith.constant 200 : i32
      %scan3A_242 = arith.addi %scan3A_240, %scan3A_241 : i32
      %scan3A_243 = arith.constant 1 : i32
      scf.for %scan3A_261 = %scan3A_240 to %scan3A_242 step %scan3A_243  : i32 {
        %get3A = arith.constant 0 : i32
        %get3A_262 = arith.index_cast %get3A : i32 to index
        %get3A_263 = arith.index_cast %scan3A_261 : i32 to index
        %get3A_264 = arith.constant 0 : index
        %get3A_265 = tpu.vector_load %arg10[%get3A_262, %get3A_263, %get3A_264] {strides = array<i32>} : memref<2x200x64xf32, #tpu.memory_space<vmem>>, vector<1x1x16xf32>,
        %get3A_266 = vector.shape_cast %get3A_265 : vector<1x1x16xf32> to vector<16xf32>
        %get3A_267 = arith.index_cast %scan3A_261 : i32 to index
        %get3A_268 = arith.constant 0 : index
        %get3A_269 = tpu.vector_load %arg6[%get3A_267, %get3A_268] {strides = array<i32>} : memref<200x64xf32, #tpu.memory_space<vmem>>, vector<1x16xf32>,
        %get3A_270 = vector.shape_cast %get3A_269 : vector<1x16xf32> to vector<16xf32>
        %add3A_271 = arith.addf %get3A_266, %get3A_270 : vector<16xf32>
        %swap3A = arith.constant 0 : i32
        %swap3A_272 = arith.index_cast %swap3A : i32 to index
        %swap3A_273 = arith.index_cast %scan3A_261 : i32 to index
        %swap3A_274 = arith.constant 0 : index
        %swap3A_275 = tpu.vector_load %arg10[%swap3A_272, %swap3A_273, %swap3A_274] {strides = array<i32>} : memref<2x200x64xf32, #tpu.memory_space<vmem>>, vector<1x1x16xf32>,
        %swap3A_276 = vector.shape_cast %swap3A_275 : vector<1x1x16xf32> to vector<16xf32>
        %swap3A_277 = vector.shape_cast %add3A_271 : vector<16xf32> to vector<1x1x16xf32>
        tpu.vector_store %arg10[%swap3A_272, %swap3A_273, %swap3A_274], %swap3A_277 {strides = array<i32>} : memref<2x200x64xf32, #tpu.memory_space<vmem>>, vector<1x1x16xf32>,
        %get3A_278 = arith.constant 0 : i32
        %get3A_279 = arith.index_cast %get3A_278 : i32 to index
        %get3A_280 = arith.index_cast %scan3A_261 : i32 to index
        %get3A_281 = arith.constant 16 : index
        %get3A_282 = tpu.vector_load %arg10[%get3A_279, %get3A_280, %get3A_281] {strides = array<i32>} : memref<2x200x64xf32, #tpu.memory_space<vmem>>, vector<1x1x16xf32>,
        %get3A_283 = vector.shape_cast %get3A_282 : vector<1x1x16xf32> to vector<16xf32>
        %get3A_284 = arith.index_cast %scan3A_261 : i32 to index
        %get3A_285 = arith.constant 16 : index
        %get3A_286 = tpu.vector_load %arg6[%get3A_284, %get3A_285] {strides = array<i32>} : memref<200x64xf32, #tpu.memory_space<vmem>>, vector<1x16xf32>,
        %get3A_287 = vector.shape_cast %get3A_286 : vector<1x16xf32> to vector<16xf32>
        %add3A_288 = arith.addf %get3A_283, %get3A_287 : vector<16xf32>
        %swap3A_289 = arith.constant 0 : i32
        %swap3A_290 = arith.index_cast %swap3A_289 : i32 to index
        %swap3A_291 = arith.index_cast %scan3A_261 : i32 to index
        %swap3A_292 = arith.constant 16 : index
        %swap3A_293 = tpu.vector_load %arg10[%swap3A_290, %swap3A_291, %swap3A_292] {strides = array<i32>} : memref<2x200x64xf32, #tpu.memory_space<vmem>>, vector<1x1x16xf32>,
        %swap3A_294 = vector.shape_cast %swap3A_293 : vector<1x1x16xf32> to vector<16xf32>
        %swap3A_295 = vector.shape_cast %add3A_288 : vector<16xf32> to vector<1x1x16xf32>
        tpu.vector_store %arg10[%swap3A_290, %swap3A_291, %swap3A_292], %swap3A_295 {strides = array<i32>} : memref<2x200x64xf32, #tpu.memory_space<vmem>>, vector<1x1x16xf32>,
        %get3A_296 = arith.constant 0 : i32
        %get3A_297 = arith.index_cast %get3A_296 : i32 to index
        %get3A_298 = arith.index_cast %scan3A_261 : i32 to index
        %get3A_299 = arith.constant 32 : index
        %get3A_300 = tpu.vector_load %arg10[%get3A_297, %get3A_298, %get3A_299] {strides = array<i32>} : memref<2x200x64xf32, #tpu.memory_space<vmem>>, vector<1x1x16xf32>,
        %get3A_301 = vector.shape_cast %get3A_300 : vector<1x1x16xf32> to vector<16xf32>
        %get3A_302 = arith.index_cast %scan3A_261 : i32 to index
        %get3A_303 = arith.constant 32 : index
        %get3A_304 = tpu.vector_load %arg6[%get3A_302, %get3A_303] {strides = array<i32>} : memref<200x64xf32, #tpu.memory_space<vmem>>, vector<1x16xf32>,
        %get3A_305 = vector.shape_cast %get3A_304 : vector<1x16xf32> to vector<16xf32>
        %add3A_306 = arith.addf %get3A_301, %get3A_305 : vector<16xf32>
        %swap3A_307 = arith.constant 0 : i32
        %swap3A_308 = arith.index_cast %swap3A_307 : i32 to index
        %swap3A_309 = arith.index_cast %scan3A_261 : i32 to index
        %swap3A_310 = arith.constant 32 : index
        %swap3A_311 = tpu.vector_load %arg10[%swap3A_308, %swap3A_309, %swap3A_310] {strides = array<i32>} : memref<2x200x64xf32, #tpu.memory_space<vmem>>, vector<1x1x16xf32>,
        %swap3A_312 = vector.shape_cast %swap3A_311 : vector<1x1x16xf32> to vector<16xf32>
        %swap3A_313 = vector.shape_cast %add3A_306 : vector<16xf32> to vector<1x1x16xf32>
        tpu.vector_store %arg10[%swap3A_308, %swap3A_309, %swap3A_310], %swap3A_313 {strides = array<i32>} : memref<2x200x64xf32, #tpu.memory_space<vmem>>, vector<1x1x16xf32>,
        %get3A_314 = arith.constant 0 : i32
        %get3A_315 = arith.index_cast %get3A_314 : i32 to index
        %get3A_316 = arith.index_cast %scan3A_261 : i32 to index
        %get3A_317 = arith.constant 48 : index
        %get3A_318 = tpu.vector_load %arg10[%get3A_315, %get3A_316, %get3A_317] {strides = array<i32>} : memref<2x200x64xf32, #tpu.memory_space<vmem>>, vector<1x1x16xf32>,
        %get3A_319 = vector.shape_cast %get3A_318 : vector<1x1x16xf32> to vector<16xf32>
        %get3A_320 = arith.index_cast %scan3A_261 : i32 to index
        %get3A_321 = arith.constant 48 : index
        %get3A_322 = tpu.vector_load %arg6[%get3A_320, %get3A_321] {strides = array<i32>} : memref<200x64xf32, #tpu.memory_space<vmem>>, vector<1x16xf32>,
        %get3A_323 = vector.shape_cast %get3A_322 : vector<1x16xf32> to vector<16xf32>
        %add3A_324 = arith.addf %get3A_319, %get3A_323 : vector<16xf32>
        %swap3A_325 = arith.constant 0 : i32
        %swap3A_326 = arith.index_cast %swap3A_325 : i32 to index
        %swap3A_327 = arith.index_cast %scan3A_261 : i32 to index
        %swap3A_328 = arith.constant 48 : index
        %swap3A_329 = tpu.vector_load %arg10[%swap3A_326, %swap3A_327, %swap3A_328] {strides = array<i32>} : memref<2x200x64xf32, #tpu.memory_space<vmem>>, vector<1x1x16xf32>,
        %swap3A_330 = vector.shape_cast %swap3A_329 : vector<1x1x16xf32> to vector<16xf32>
        %swap3A_331 = vector.shape_cast %add3A_324 : vector<16xf32> to vector<1x1x16xf32>
        tpu.vector_store %arg10[%swap3A_326, %swap3A_327, %swap3A_328], %swap3A_331 {strides = array<i32>} : memref<2x200x64xf32, #tpu.memory_space<vmem>>, vector<1x1x16xf32>,
        %get3A_332 = arith.constant 1 : i32
        %get3A_333 = arith.index_cast %get3A_332 : i32 to index
        %get3A_334 = arith.index_cast %scan3A_261 : i32 to index
        %get3A_335 = arith.constant 0 : index
        %get3A_336 = tpu.vector_load %arg10[%get3A_333, %get3A_334, %get3A_335] {strides = array<i32>} : memref<2x200x64xf32, #tpu.memory_space<vmem>>, vector<1x1x16xf32>,
        %get3A_337 = vector.shape_cast %get3A_336 : vector<1x1x16xf32> to vector<16xf32>
        %get3A_338 = arith.index_cast %scan3A_261 : i32 to index
        %get3A_339 = arith.constant 0 : index
        %get3A_340 = tpu.vector_load %arg6[%get3A_338, %get3A_339] {strides = array<i32>} : memref<200x64xf32, #tpu.memory_space<vmem>>, vector<1x16xf32>,
        %get3A_341 = vector.shape_cast %get3A_340 : vector<1x16xf32> to vector<16xf32>
        %add3A_342 = arith.addf %get3A_337, %get3A_341 : vector<16xf32>
        %swap3A_343 = arith.constant 1 : i32
        %swap3A_344 = arith.index_cast %swap3A_343 : i32 to index
        %swap3A_345 = arith.index_cast %scan3A_261 : i32 to index
        %swap3A_346 = arith.constant 0 : index
        %swap3A_347 = tpu.vector_load %arg10[%swap3A_344, %swap3A_345, %swap3A_346] {strides = array<i32>} : memref<2x200x64xf32, #tpu.memory_space<vmem>>, vector<1x1x16xf32>,
        %swap3A_348 = vector.shape_cast %swap3A_347 : vector<1x1x16xf32> to vector<16xf32>
        %swap3A_349 = vector.shape_cast %add3A_342 : vector<16xf32> to vector<1x1x16xf32>
        tpu.vector_store %arg10[%swap3A_344, %swap3A_345, %swap3A_346], %swap3A_349 {strides = array<i32>} : memref<2x200x64xf32, #tpu.memory_space<vmem>>, vector<1x1x16xf32>,
        %get3A_350 = arith.constant 1 : i32
        %get3A_351 = arith.index_cast %get3A_350 : i32 to index
        %get3A_352 = arith.index_cast %scan3A_261 : i32 to index
        %get3A_353 = arith.constant 16 : index
        %get3A_354 = tpu.vector_load %arg10[%get3A_351, %get3A_352, %get3A_353] {strides = array<i32>} : memref<2x200x64xf32, #tpu.memory_space<vmem>>, vector<1x1x16xf32>,
        %get3A_355 = vector.shape_cast %get3A_354 : vector<1x1x16xf32> to vector<16xf32>
        %get3A_356 = arith.index_cast %scan3A_261 : i32 to index
        %get3A_357 = arith.constant 16 : index
        %get3A_358 = tpu.vector_load %arg6[%get3A_356, %get3A_357] {strides = array<i32>} : memref<200x64xf32, #tpu.memory_space<vmem>>, vector<1x16xf32>,
        %get3A_359 = vector.shape_cast %get3A_358 : vector<1x16xf32> to vector<16xf32>
        %add3A_360 = arith.addf %get3A_355, %get3A_359 : vector<16xf32>
        %swap3A_361 = arith.constant 1 : i32
        %swap3A_362 = arith.index_cast %swap3A_361 : i32 to index
        %swap3A_363 = arith.index_cast %scan3A_261 : i32 to index
        %swap3A_364 = arith.constant 16 : index
        %swap3A_365 = tpu.vector_load %arg10[%swap3A_362, %swap3A_363, %swap3A_364] {strides = array<i32>} : memref<2x200x64xf32, #tpu.memory_space<vmem>>, vector<1x1x16xf32>,
        %swap3A_366 = vector.shape_cast %swap3A_365 : vector<1x1x16xf32> to vector<16xf32>
        %swap3A_367 = vector.shape_cast %add3A_360 : vector<16xf32> to vector<1x1x16xf32>
        tpu.vector_store %arg10[%swap3A_362, %swap3A_363, %swap3A_364], %swap3A_367 {strides = array<i32>} : memref<2x200x64xf32, #tpu.memory_space<vmem>>, vector<1x1x16xf32>,
        %get3A_368 = arith.constant 1 : i32
        %get3A_369 = arith.index_cast %get3A_368 : i32 to index
        %get3A_370 = arith.index_cast %scan3A_261 : i32 to index
        %get3A_371 = arith.constant 32 : index
        %get3A_372 = tpu.vector_load %arg10[%get3A_369, %get3A_370, %get3A_371] {strides = array<i32>} : memref<2x200x64xf32, #tpu.memory_space<vmem>>, vector<1x1x16xf32>,
        %get3A_373 = vector.shape_cast %get3A_372 : vector<1x1x16xf32> to vector<16xf32>
        %get3A_374 = arith.index_cast %scan3A_261 : i32 to index
        %get3A_375 = arith.constant 32 : index
        %get3A_376 = tpu.vector_load %arg6[%get3A_374, %get3A_375] {strides = array<i32>} : memref<200x64xf32, #tpu.memory_space<vmem>>, vector<1x16xf32>,
        %get3A_377 = vector.shape_cast %get3A_376 : vector<1x16xf32> to vector<16xf32>
        %add3A_378 = arith.addf %get3A_373, %get3A_377 : vector<16xf32>
        %swap3A_379 = arith.constant 1 : i32
        %swap3A_380 = arith.index_cast %swap3A_379 : i32 to index
        %swap3A_381 = arith.index_cast %scan3A_261 : i32 to index
        %swap3A_382 = arith.constant 32 : index
        %swap3A_383 = tpu.vector_load %arg10[%swap3A_380, %swap3A_381, %swap3A_382] {strides = array<i32>} : memref<2x200x64xf32, #tpu.memory_space<vmem>>, vector<1x1x16xf32>,
        %swap3A_384 = vector.shape_cast %swap3A_383 : vector<1x1x16xf32> to vector<16xf32>
        %swap3A_385 = vector.shape_cast %add3A_378 : vector<16xf32> to vector<1x1x16xf32>
        tpu.vector_store %arg10[%swap3A_380, %swap3A_381, %swap3A_382], %swap3A_385 {strides = array<i32>} : memref<2x200x64xf32, #tpu.memory_space<vmem>>, vector<1x1x16xf32>,
        %get3A_386 = arith.constant 1 : i32
        %get3A_387 = arith.index_cast %get3A_386 : i32 to index
        %get3A_388 = arith.index_cast %scan3A_261 : i32 to index
        %get3A_389 = arith.constant 48 : index
        %get3A_390 = tpu.vector_load %arg10[%get3A_387, %get3A_388, %get3A_389] {strides = array<i32>} : memref<2x200x64xf32, #tpu.memory_space<vmem>>, vector<1x1x16xf32>,
        %get3A_391 = vector.shape_cast %get3A_390 : vector<1x1x16xf32> to vector<16xf32>
        %get3A_392 = arith.index_cast %scan3A_261 : i32 to index
        %get3A_393 = arith.constant 48 : index
        %get3A_394 = tpu.vector_load %arg6[%get3A_392, %get3A_393] {strides = array<i32>} : memref<200x64xf32, #tpu.memory_space<vmem>>, vector<1x16xf32>,
        %get3A_395 = vector.shape_cast %get3A_394 : vector<1x16xf32> to vector<16xf32>
        %add3A_396 = arith.addf %get3A_391, %get3A_395 : vector<16xf32>
        %swap3A_397 = arith.constant 1 : i32
        %swap3A_398 = arith.index_cast %swap3A_397 : i32 to index
        %swap3A_399 = arith.index_cast %scan3A_261 : i32 to index
        %swap3A_400 = arith.constant 48 : index
        %swap3A_401 = tpu.vector_load %arg10[%swap3A_398, %swap3A_399, %swap3A_400] {strides = array<i32>} : memref<2x200x64xf32, #tpu.memory_space<vmem>>, vector<1x1x16xf32>,
        %swap3A_402 = vector.shape_cast %swap3A_401 : vector<1x1x16xf32> to vector<16xf32>
        %swap3A_403 = vector.shape_cast %add3A_396 : vector<16xf32> to vector<1x1x16xf32>
        tpu.vector_store %arg10[%swap3A_398, %swap3A_399, %swap3A_400], %swap3A_403 {strides = array<i32>} : memref<2x200x64xf32, #tpu.memory_space<vmem>>, vector<1x1x16xf32>,
      }
      %scan3A_244 = arith.constant 200 : i32
      %mul3A_245 = arith.constant 2 : i32
      %mul3A_246 = arith.muli %add3A_230, %mul3A_245 : i32
      %add3A_247 = arith.addi %mul3A_2, %mul3A_246 : i32
      %dma_start3A_248 = arith.constant 0 : i32
      %dma_start3A_249 = arith.constant 0 : i32
      %dma_start3A_250 = tpu.memref_slice %arg5[%add3A_247, %dma_start3A_248, %dma_start3A_249] : memref<4096x200x64xf32, #tpu.memory_space<hbm>> -> memref<2x200x64xf32, #tpu.memory_space<hbm>>
      %dma_start3A_251 = arith.constant 0 : i32
      %dma_start3A_252 = arith.constant 0 : i32
      %dma_start3A_253 = tpu.memref_slice %arg5[%add3A_247, %dma_start3A_251, %dma_start3A_252] : memref<4096x200x64xf32, #tpu.memory_space<hbm>> -> memref<2x200x64xf32, #tpu.memory_space<hbm>>
      tpu.enqueue_dma source(%arg10 : memref<2x200x64xf32, #tpu.memory_space<vmem>>) target(%dma_start3A_253 : memref<2x200x64xf32, #tpu.memory_space<hbm>>) target_semaphore(%arg16 : memref<!tpu.dma_semaphore, #tpu.memory_space<semaphore_mem>>)
      %add3A_254 = arith.constant 2 : i32
      %add3A_255 = arith.addi %add3A_230, %add3A_254 : i32
      %lt3A_256 = arith.constant 64 : i32
      %lt3A_257 = arith.cmpi slt, %add3A_255, %lt3A_256 : i32
      %convert_element_type3A_258 = arith.extui %lt3A_257 : i1 to i32
      %cond3A_259 = arith.constant 0 : i32
      %cond3A_260 = arith.cmpi ne, %convert_element_type3A_258, %cond3A_259 : i32
      scf.if %cond3A_260 {
        %ge3A = arith.constant 3 : i32
        %ge3A_261 = arith.cmpi sge, %add3A_255, %ge3A : i32
        %convert_element_type3A_262 = arith.extui %ge3A_261 : i1 to i32
        %cond3A_263 = arith.constant 0 : i32
        %cond3A_264 = arith.cmpi ne, %convert_element_type3A_262, %cond3A_263 : i32
        scf.if %cond3A_264 {
          %dma_wait3A_325 = arith.constant 0 : i32
          %dma_wait3A_326 = arith.constant 0 : i32
          %dma_wait3A_327 = arith.constant 0 : i32
          %dma_wait3A_328 = tpu.memref_slice %arg5[%dma_wait3A_325, %dma_wait3A_326, %dma_wait3A_327] : memref<4096x200x64xf32, #tpu.memory_space<hbm>> -> memref<2x200x64xf32, #tpu.memory_space<hbm>>
          %dma_wait3A_329 = arith.constant 0 : i32
          %dma_wait3A_330 = arith.constant 0 : i32
          %dma_wait3A_331 = arith.constant 0 : i32
          %dma_wait3A_332 = tpu.memref_slice %arg5[%dma_wait3A_329, %dma_wait3A_330, %dma_wait3A_331] : memref<4096x200x64xf32, #tpu.memory_space<hbm>> -> memref<2x200x64xf32, #tpu.memory_space<hbm>>
          tpu.wait_dma2 semaphore(%arg15 : memref<!tpu.dma_semaphore, #tpu.memory_space<semaphore_mem>>) src(%dma_wait3A_332 : memref<2x200x64xf32, #tpu.memory_space<hbm>>) dst(%arg9 : memref<2x200x64xf32, #tpu.memory_space<vmem>>)
        } else {
        }
        %mul3A_265 = arith.constant 2 : i32
        %mul3A_266 = arith.muli %add3A_255, %mul3A_265 : i32
        %add3A_267 = arith.constant 0 : i32
        %add3A_268 = arith.addi %mul3A_266, %add3A_267 : i32
        %dma_start3A_269 = arith.constant 0 : i32
        %dma_start3A_270 = arith.constant 0 : i32
        %dma_start3A_271 = arith.constant 0 : i32
        %dma_start3A_272 = tpu.memref_slice %arg9[%dma_start3A_269, %dma_start3A_270, %dma_start3A_271] : memref<2x200x64xf32, #tpu.memory_space<vmem>> -> memref<1x128x64xf32, #tpu.memory_space<vmem>>
        %dma_start3A_273 = tpu.memref_squeeze %dma_start3A_272 : memref<1x128x64xf32, #tpu.memory_space<vmem>> -> memref<128x64xf32, #tpu.memory_space<vmem>>
        %dma_start3A_274 = arith.constant 0 : i32
        %dma_start3A_275 = tpu.memref_slice %arg7[%add3A_268, %dma_start3A_274] : memref<128x200xi32, #tpu.memory_space<vmem>> -> memref<1x128xi32, #tpu.memory_space<vmem>>
        %dma_start3A_276 = tpu.memref_squeeze %dma_start3A_275 : memref<1x128xi32, #tpu.memory_space<vmem>> -> memref<128xi32, #tpu.memory_space<vmem>>
        %dma_start3A_277 = arith.constant 0 : i32
        %dma_start3A_278 = arith.constant 0 : i32
        %dma_start3A_279 = tpu.memref_slice %arg3[%dma_start3A_277, %dma_start3A_278] : memref<1000000x64xf32, #tpu.memory_space<hbm>> -> memref<1000000x64xf32, #tpu.memory_space<hbm>>
        tpu.enqueue_indirect_dma source(%dma_start3A_279 : memref<1000000x64xf32, #tpu.memory_space<hbm>>) target(%dma_start3A_273 : memref<128x64xf32, #tpu.memory_space<vmem>>) offsets(%dma_start3A_276 : memref<128xi32, #tpu.memory_space<vmem>>) semaphore(%arg12 : memref<!tpu.dma_semaphore, #tpu.memory_space<semaphore_mem>>)
        %mul3A_280 = arith.constant 2 : i32
        %mul3A_281 = arith.muli %add3A_255, %mul3A_280 : i32
        %add3A_282 = arith.constant 0 : i32
        %add3A_283 = arith.addi %mul3A_281, %add3A_282 : i32
        %dma_start3A_284 = arith.constant 0 : i32
        %dma_start3A_285 = arith.constant 128 : i32
        %dma_start3A_286 = arith.constant 0 : i32
        %dma_start3A_287 = tpu.memref_slice %arg9[%dma_start3A_284, %dma_start3A_285, %dma_start3A_286] : memref<2x200x64xf32, #tpu.memory_space<vmem>> -> memref<1x72x64xf32, #tpu.memory_space<vmem>>
        %dma_start3A_288 = tpu.memref_squeeze %dma_start3A_287 : memref<1x72x64xf32, #tpu.memory_space<vmem>> -> memref<72x64xf32, #tpu.memory_space<vmem>>
        %dma_start3A_289 = arith.constant 128 : i32
        %dma_start3A_290 = tpu.memref_slice %arg7[%add3A_283, %dma_start3A_289] : memref<128x200xi32, #tpu.memory_space<vmem>> -> memref<1x72xi32, #tpu.memory_space<vmem>>
        %dma_start3A_291 = tpu.memref_squeeze %dma_start3A_290 : memref<1x72xi32, #tpu.memory_space<vmem>> -> memref<72xi32, #tpu.memory_space<vmem>>
        %dma_start3A_292 = arith.constant 0 : i32
        %dma_start3A_293 = arith.constant 0 : i32
        %dma_start3A_294 = tpu.memref_slice %arg3[%dma_start3A_292, %dma_start3A_293] : memref<1000000x64xf32, #tpu.memory_space<hbm>> -> memref<1000000x64xf32, #tpu.memory_space<hbm>>
        tpu.enqueue_indirect_dma source(%dma_start3A_294 : memref<1000000x64xf32, #tpu.memory_space<hbm>>) target(%dma_start3A_288 : memref<72x64xf32, #tpu.memory_space<vmem>>) offsets(%dma_start3A_291 : memref<72xi32, #tpu.memory_space<vmem>>) semaphore(%arg12 : memref<!tpu.dma_semaphore, #tpu.memory_space<semaphore_mem>>)
        %mul3A_295 = arith.constant 2 : i32
        %mul3A_296 = arith.muli %add3A_255, %mul3A_295 : i32
        %add3A_297 = arith.constant 1 : i32
        %add3A_298 = arith.addi %mul3A_296, %add3A_297 : i32
        %dma_start3A_299 = arith.constant 1 : i32
        %dma_start3A_300 = arith.constant 0 : i32
        %dma_start3A_301 = arith.constant 0 : i32
        %dma_start3A_302 = tpu.memref_slice %arg9[%dma_start3A_299, %dma_start3A_300, %dma_start3A_301] : memref<2x200x64xf32, #tpu.memory_space<vmem>> -> memref<1x128x64xf32, #tpu.memory_space<vmem>>
        %dma_start3A_303 = tpu.memref_squeeze %dma_start3A_302 : memref<1x128x64xf32, #tpu.memory_space<vmem>> -> memref<128x64xf32, #tpu.memory_space<vmem>>
        %dma_start3A_304 = arith.constant 0 : i32
        %dma_start3A_305 = tpu.memref_slice %arg7[%add3A_298, %dma_start3A_304] : memref<128x200xi32, #tpu.memory_space<vmem>> -> memref<1x128xi32, #tpu.memory_space<vmem>>
        %dma_start3A_306 = tpu.memref_squeeze %dma_start3A_305 : memref<1x128xi32, #tpu.memory_space<vmem>> -> memref<128xi32, #tpu.memory_space<vmem>>
        %dma_start3A_307 = arith.constant 0 : i32
        %dma_start3A_308 = arith.constant 0 : i32
        %dma_start3A_309 = tpu.memref_slice %arg3[%dma_start3A_307, %dma_start3A_308] : memref<1000000x64xf32, #tpu.memory_space<hbm>> -> memref<1000000x64xf32, #tpu.memory_space<hbm>>
        tpu.enqueue_indirect_dma source(%dma_start3A_309 : memref<1000000x64xf32, #tpu.memory_space<hbm>>) target(%dma_start3A_303 : memref<128x64xf32, #tpu.memory_space<vmem>>) offsets(%dma_start3A_306 : memref<128xi32, #tpu.memory_space<vmem>>) semaphore(%arg12 : memref<!tpu.dma_semaphore, #tpu.memory_space<semaphore_mem>>)
        %mul3A_310 = arith.constant 2 : i32
        %mul3A_311 = arith.muli %add3A_255, %mul3A_310 : i32
        %add3A_312 = arith.constant 1 : i32
        %add3A_313 = arith.addi %mul3A_311, %add3A_312 : i32
        %dma_start3A_314 = arith.constant 1 : i32
        %dma_start3A_315 = arith.constant 128 : i32
        %dma_start3A_316 = arith.constant 0 : i32
        %dma_start3A_317 = tpu.memref_slice %arg9[%dma_start3A_314, %dma_start3A_315, %dma_start3A_316] : memref<2x200x64xf32, #tpu.memory_space<vmem>> -> memref<1x72x64xf32, #tpu.memory_space<vmem>>
        %dma_start3A_318 = tpu.memref_squeeze %dma_start3A_317 : memref<1x72x64xf32, #tpu.memory_space<vmem>> -> memref<72x64xf32, #tpu.memory_space<vmem>>
        %dma_start3A_319 = arith.constant 128 : i32
        %dma_start3A_320 = tpu.memref_slice %arg7[%add3A_313, %dma_start3A_319] : memref<128x200xi32, #tpu.memory_space<vmem>> -> memref<1x72xi32, #tpu.memory_space<vmem>>
        %dma_start3A_321 = tpu.memref_squeeze %dma_start3A_320 : memref<1x72xi32, #tpu.memory_space<vmem>> -> memref<72xi32, #tpu.memory_space<vmem>>
        %dma_start3A_322 = arith.constant 0 : i32
        %dma_start3A_323 = arith.constant 0 : i32
        %dma_start3A_324 = tpu.memref_slice %arg3[%dma_start3A_322, %dma_start3A_323] : memref<1000000x64xf32, #tpu.memory_space<hbm>> -> memref<1000000x64xf32, #tpu.memory_space<hbm>>
        tpu.enqueue_indirect_dma source(%dma_start3A_324 : memref<1000000x64xf32, #tpu.memory_space<hbm>>) target(%dma_start3A_318 : memref<72x64xf32, #tpu.memory_space<vmem>>) offsets(%dma_start3A_321 : memref<72xi32, #tpu.memory_space<vmem>>) semaphore(%arg12 : memref<!tpu.dma_semaphore, #tpu.memory_space<semaphore_mem>>)
      } else {
      }
    }
    %scan3A_102 = arith.constant 21 : i32
    %mul3A_103 = arith.constant 21 : i32
    %mul3A_104 = arith.constant 3 : i32
    %mul3A_105 = arith.muli %mul3A_103, %mul3A_104 : i32
    %add3A_106 = arith.constant 0 : i32
    %add3A_107 = arith.addi %mul3A_105, %add3A_106 : i32
    %dma_wait3A = arith.constant 0 : i32
    %dma_wait3A_108 = arith.constant 0 : i32
    %dma_wait3A_109 = arith.constant 0 : i32
    %dma_wait3A_110 = tpu.memref_slice %arg5[%dma_wait3A, %dma_wait3A_108, %dma_wait3A_109] : memref<4096x200x64xf32, #tpu.memory_space<hbm>> -> memref<2x200x64xf32, #tpu.memory_space<hbm>>
    %dma_wait3A_111 = arith.constant 0 : i32
    %dma_wait3A_112 = arith.constant 0 : i32
    %dma_wait3A_113 = arith.constant 0 : i32
    %dma_wait3A_114 = tpu.memref_slice %arg5[%dma_wait3A_111, %dma_wait3A_112, %dma_wait3A_113] : memref<4096x200x64xf32, #tpu.memory_space<hbm>> -> memref<2x200x64xf32, #tpu.memory_space<hbm>>
    tpu.wait_dma2 semaphore(%arg11 : memref<!tpu.dma_semaphore, #tpu.memory_space<semaphore_mem>>) src(%dma_wait3A_114 : memref<2x200x64xf32, #tpu.memory_space<hbm>>) dst(%arg8 : memref<2x200x64xf32, #tpu.memory_space<vmem>>)
    %scan3A_115 = arith.constant 0 : i32
    %scan3A_116 = arith.constant 0 : i32
    %scan3A_117 = arith.constant 200 : i32
    %scan3A_118 = arith.addi %scan3A_116, %scan3A_117 : i32
    %scan3A_119 = arith.constant 1 : i32
    scf.for %scan3A_158 = %scan3A_116 to %scan3A_118 step %scan3A_119  : i32 {
      %get3A = arith.constant 0 : i32
      %get3A_159 = arith.index_cast %get3A : i32 to index
      %get3A_160 = arith.index_cast %scan3A_158 : i32 to index
      %get3A_161 = arith.constant 0 : index
      %get3A_162 = tpu.vector_load %arg8[%get3A_159, %get3A_160, %get3A_161] {strides = array<i32>} : memref<2x200x64xf32, #tpu.memory_space<vmem>>, vector<1x1x16xf32>,
      %get3A_163 = vector.shape_cast %get3A_162 : vector<1x1x16xf32> to vector<16xf32>
      %get3A_164 = arith.index_cast %scan3A_158 : i32 to index
      %get3A_165 = arith.constant 0 : index
      %get3A_166 = tpu.vector_load %arg6[%get3A_164, %get3A_165] {strides = array<i32>} : memref<200x64xf32, #tpu.memory_space<vmem>>, vector<1x16xf32>,
      %get3A_167 = vector.shape_cast %get3A_166 : vector<1x16xf32> to vector<16xf32>
      %add3A_168 = arith.addf %get3A_163, %get3A_167 : vector<16xf32>
      %swap3A = arith.constant 0 : i32
      %swap3A_169 = arith.index_cast %swap3A : i32 to index
      %swap3A_170 = arith.index_cast %scan3A_158 : i32 to index
      %swap3A_171 = arith.constant 0 : index
      %swap3A_172 = tpu.vector_load %arg8[%swap3A_169, %swap3A_170, %swap3A_171] {strides = array<i32>} : memref<2x200x64xf32, #tpu.memory_space<vmem>>, vector<1x1x16xf32>,
      %swap3A_173 = vector.shape_cast %swap3A_172 : vector<1x1x16xf32> to vector<16xf32>
      %swap3A_174 = vector.shape_cast %add3A_168 : vector<16xf32> to vector<1x1x16xf32>
      tpu.vector_store %arg8[%swap3A_169, %swap3A_170, %swap3A_171], %swap3A_174 {strides = array<i32>} : memref<2x200x64xf32, #tpu.memory_space<vmem>>, vector<1x1x16xf32>,
      %get3A_175 = arith.constant 0 : i32
      %get3A_176 = arith.index_cast %get3A_175 : i32 to index
      %get3A_177 = arith.index_cast %scan3A_158 : i32 to index
      %get3A_178 = arith.constant 16 : index
      %get3A_179 = tpu.vector_load %arg8[%get3A_176, %get3A_177, %get3A_178] {strides = array<i32>} : memref<2x200x64xf32, #tpu.memory_space<vmem>>, vector<1x1x16xf32>,
      %get3A_180 = vector.shape_cast %get3A_179 : vector<1x1x16xf32> to vector<16xf32>
      %get3A_181 = arith.index_cast %scan3A_158 : i32 to index
      %get3A_182 = arith.constant 16 : index
      %get3A_183 = tpu.vector_load %arg6[%get3A_181, %get3A_182] {strides = array<i32>} : memref<200x64xf32, #tpu.memory_space<vmem>>, vector<1x16xf32>,
      %get3A_184 = vector.shape_cast %get3A_183 : vector<1x16xf32> to vector<16xf32>
      %add3A_185 = arith.addf %get3A_180, %get3A_184 : vector<16xf32>
      %swap3A_186 = arith.constant 0 : i32
      %swap3A_187 = arith.index_cast %swap3A_186 : i32 to index
      %swap3A_188 = arith.index_cast %scan3A_158 : i32 to index
      %swap3A_189 = arith.constant 16 : index
      %swap3A_190 = tpu.vector_load %arg8[%swap3A_187, %swap3A_188, %swap3A_189] {strides = array<i32>} : memref<2x200x64xf32, #tpu.memory_space<vmem>>, vector<1x1x16xf32>,
      %swap3A_191 = vector.shape_cast %swap3A_190 : vector<1x1x16xf32> to vector<16xf32>
      %swap3A_192 = vector.shape_cast %add3A_185 : vector<16xf32> to vector<1x1x16xf32>
      tpu.vector_store %arg8[%swap3A_187, %swap3A_188, %swap3A_189], %swap3A_192 {strides = array<i32>} : memref<2x200x64xf32, #tpu.memory_space<vmem>>, vector<1x1x16xf32>,
      %get3A_193 = arith.constant 0 : i32
      %get3A_194 = arith.index_cast %get3A_193 : i32 to index
      %get3A_195 = arith.index_cast %scan3A_158 : i32 to index
      %get3A_196 = arith.constant 32 : index
      %get3A_197 = tpu.vector_load %arg8[%get3A_194, %get3A_195, %get3A_196] {strides = array<i32>} : memref<2x200x64xf32, #tpu.memory_space<vmem>>, vector<1x1x16xf32>,
      %get3A_198 = vector.shape_cast %get3A_197 : vector<1x1x16xf32> to vector<16xf32>
      %get3A_199 = arith.index_cast %scan3A_158 : i32 to index
      %get3A_200 = arith.constant 32 : index
      %get3A_201 = tpu.vector_load %arg6[%get3A_199, %get3A_200] {strides = array<i32>} : memref<200x64xf32, #tpu.memory_space<vmem>>, vector<1x16xf32>,
      %get3A_202 = vector.shape_cast %get3A_201 : vector<1x16xf32> to vector<16xf32>
      %add3A_203 = arith.addf %get3A_198, %get3A_202 : vector<16xf32>
      %swap3A_204 = arith.constant 0 : i32
      %swap3A_205 = arith.index_cast %swap3A_204 : i32 to index
      %swap3A_206 = arith.index_cast %scan3A_158 : i32 to index
      %swap3A_207 = arith.constant 32 : index
      %swap3A_208 = tpu.vector_load %arg8[%swap3A_205, %swap3A_206, %swap3A_207] {strides = array<i32>} : memref<2x200x64xf32, #tpu.memory_space<vmem>>, vector<1x1x16xf32>,
      %swap3A_209 = vector.shape_cast %swap3A_208 : vector<1x1x16xf32> to vector<16xf32>
      %swap3A_210 = vector.shape_cast %add3A_203 : vector<16xf32> to vector<1x1x16xf32>
      tpu.vector_store %arg8[%swap3A_205, %swap3A_206, %swap3A_207], %swap3A_210 {strides = array<i32>} : memref<2x200x64xf32, #tpu.memory_space<vmem>>, vector<1x1x16xf32>,
      %get3A_211 = arith.constant 0 : i32
      %get3A_212 = arith.index_cast %get3A_211 : i32 to index
      %get3A_213 = arith.index_cast %scan3A_158 : i32 to index
      %get3A_214 = arith.constant 48 : index
      %get3A_215 = tpu.vector_load %arg8[%get3A_212, %get3A_213, %get3A_214] {strides = array<i32>} : memref<2x200x64xf32, #tpu.memory_space<vmem>>, vector<1x1x16xf32>,
      %get3A_216 = vector.shape_cast %get3A_215 : vector<1x1x16xf32> to vector<16xf32>
      %get3A_217 = arith.index_cast %scan3A_158 : i32 to index
      %get3A_218 = arith.constant 48 : index
      %get3A_219 = tpu.vector_load %arg6[%get3A_217, %get3A_218] {strides = array<i32>} : memref<200x64xf32, #tpu.memory_space<vmem>>, vector<1x16xf32>,
      %get3A_220 = vector.shape_cast %get3A_219 : vector<1x16xf32> to vector<16xf32>
      %add3A_221 = arith.addf %get3A_216, %get3A_220 : vector<16xf32>
      %swap3A_222 = arith.constant 0 : i32
      %swap3A_223 = arith.index_cast %swap3A_222 : i32 to index
      %swap3A_224 = arith.index_cast %scan3A_158 : i32 to index
      %swap3A_225 = arith.constant 48 : index
      %swap3A_226 = tpu.vector_load %arg8[%swap3A_223, %swap3A_224, %swap3A_225] {strides = array<i32>} : memref<2x200x64xf32, #tpu.memory_space<vmem>>, vector<1x1x16xf32>,
      %swap3A_227 = vector.shape_cast %swap3A_226 : vector<1x1x16xf32> to vector<16xf32>
      %swap3A_228 = vector.shape_cast %add3A_221 : vector<16xf32> to vector<1x1x16xf32>
      tpu.vector_store %arg8[%swap3A_223, %swap3A_224, %swap3A_225], %swap3A_228 {strides = array<i32>} : memref<2x200x64xf32, #tpu.memory_space<vmem>>, vector<1x1x16xf32>,
      %get3A_229 = arith.constant 1 : i32
      %get3A_230 = arith.index_cast %get3A_229 : i32 to index
      %get3A_231 = arith.index_cast %scan3A_158 : i32 to index
      %get3A_232 = arith.constant 0 : index
      %get3A_233 = tpu.vector_load %arg8[%get3A_230, %get3A_231, %get3A_232] {strides = array<i32>} : memref<2x200x64xf32, #tpu.memory_space<vmem>>, vector<1x1x16xf32>,
      %get3A_234 = vector.shape_cast %get3A_233 : vector<1x1x16xf32> to vector<16xf32>
      %get3A_235 = arith.index_cast %scan3A_158 : i32 to index
      %get3A_236 = arith.constant 0 : index
      %get3A_237 = tpu.vector_load %arg6[%get3A_235, %get3A_236] {strides = array<i32>} : memref<200x64xf32, #tpu.memory_space<vmem>>, vector<1x16xf32>,
      %get3A_238 = vector.shape_cast %get3A_237 : vector<1x16xf32> to vector<16xf32>
      %add3A_239 = arith.addf %get3A_234, %get3A_238 : vector<16xf32>
      %swap3A_240 = arith.constant 1 : i32
      %swap3A_241 = arith.index_cast %swap3A_240 : i32 to index
      %swap3A_242 = arith.index_cast %scan3A_158 : i32 to index
      %swap3A_243 = arith.constant 0 : index
      %swap3A_244 = tpu.vector_load %arg8[%swap3A_241, %swap3A_242, %swap3A_243] {strides = array<i32>} : memref<2x200x64xf32, #tpu.memory_space<vmem>>, vector<1x1x16xf32>,
      %swap3A_245 = vector.shape_cast %swap3A_244 : vector<1x1x16xf32> to vector<16xf32>
      %swap3A_246 = vector.shape_cast %add3A_239 : vector<16xf32> to vector<1x1x16xf32>
      tpu.vector_store %arg8[%swap3A_241, %swap3A_242, %swap3A_243], %swap3A_246 {strides = array<i32>} : memref<2x200x64xf32, #tpu.memory_space<vmem>>, vector<1x1x16xf32>,
      %get3A_247 = arith.constant 1 : i32
      %get3A_248 = arith.index_cast %get3A_247 : i32 to index
      %get3A_249 = arith.index_cast %scan3A_158 : i32 to index
      %get3A_250 = arith.constant 16 : index
      %get3A_251 = tpu.vector_load %arg8[%get3A_248, %get3A_249, %get3A_250] {strides = array<i32>} : memref<2x200x64xf32, #tpu.memory_space<vmem>>, vector<1x1x16xf32>,
      %get3A_252 = vector.shape_cast %get3A_251 : vector<1x1x16xf32> to vector<16xf32>
      %get3A_253 = arith.index_cast %scan3A_158 : i32 to index
      %get3A_254 = arith.constant 16 : index
      %get3A_255 = tpu.vector_load %arg6[%get3A_253, %get3A_254] {strides = array<i32>} : memref<200x64xf32, #tpu.memory_space<vmem>>, vector<1x16xf32>,
      %get3A_256 = vector.shape_cast %get3A_255 : vector<1x16xf32> to vector<16xf32>
      %add3A_257 = arith.addf %get3A_252, %get3A_256 : vector<16xf32>
      %swap3A_258 = arith.constant 1 : i32
      %swap3A_259 = arith.index_cast %swap3A_258 : i32 to index
      %swap3A_260 = arith.index_cast %scan3A_158 : i32 to index
      %swap3A_261 = arith.constant 16 : index
      %swap3A_262 = tpu.vector_load %arg8[%swap3A_259, %swap3A_260, %swap3A_261] {strides = array<i32>} : memref<2x200x64xf32, #tpu.memory_space<vmem>>, vector<1x1x16xf32>,
      %swap3A_263 = vector.shape_cast %swap3A_262 : vector<1x1x16xf32> to vector<16xf32>
      %swap3A_264 = vector.shape_cast %add3A_257 : vector<16xf32> to vector<1x1x16xf32>
      tpu.vector_store %arg8[%swap3A_259, %swap3A_260, %swap3A_261], %swap3A_264 {strides = array<i32>} : memref<2x200x64xf32, #tpu.memory_space<vmem>>, vector<1x1x16xf32>,
      %get3A_265 = arith.constant 1 : i32
      %get3A_266 = arith.index_cast %get3A_265 : i32 to index
      %get3A_267 = arith.index_cast %scan3A_158 : i32 to index
      %get3A_268 = arith.constant 32 : index
      %get3A_269 = tpu.vector_load %arg8[%get3A_266, %get3A_267, %get3A_268] {strides = array<i32>} : memref<2x200x64xf32, #tpu.memory_space<vmem>>, vector<1x1x16xf32>,
      %get3A_270 = vector.shape_cast %get3A_269 : vector<1x1x16xf32> to vector<16xf32>
      %get3A_271 = arith.index_cast %scan3A_158 : i32 to index
      %get3A_272 = arith.constant 32 : index
      %get3A_273 = tpu.vector_load %arg6[%get3A_271, %get3A_272] {strides = array<i32>} : memref<200x64xf32, #tpu.memory_space<vmem>>, vector<1x16xf32>,
      %get3A_274 = vector.shape_cast %get3A_273 : vector<1x16xf32> to vector<16xf32>
      %add3A_275 = arith.addf %get3A_270, %get3A_274 : vector<16xf32>
      %swap3A_276 = arith.constant 1 : i32
      %swap3A_277 = arith.index_cast %swap3A_276 : i32 to index
      %swap3A_278 = arith.index_cast %scan3A_158 : i32 to index
      %swap3A_279 = arith.constant 32 : index
      %swap3A_280 = tpu.vector_load %arg8[%swap3A_277, %swap3A_278, %swap3A_279] {strides = array<i32>} : memref<2x200x64xf32, #tpu.memory_space<vmem>>, vector<1x1x16xf32>,
      %swap3A_281 = vector.shape_cast %swap3A_280 : vector<1x1x16xf32> to vector<16xf32>
      %swap3A_282 = vector.shape_cast %add3A_275 : vector<16xf32> to vector<1x1x16xf32>
      tpu.vector_store %arg8[%swap3A_277, %swap3A_278, %swap3A_279], %swap3A_282 {strides = array<i32>} : memref<2x200x64xf32, #tpu.memory_space<vmem>>, vector<1x1x16xf32>,
      %get3A_283 = arith.constant 1 : i32
      %get3A_284 = arith.index_cast %get3A_283 : i32 to index
      %get3A_285 = arith.index_cast %scan3A_158 : i32 to index
      %get3A_286 = arith.constant 48 : index
      %get3A_287 = tpu.vector_load %arg8[%get3A_284, %get3A_285, %get3A_286] {strides = array<i32>} : memref<2x200x64xf32, #tpu.memory_space<vmem>>, vector<1x1x16xf32>,
      %get3A_288 = vector.shape_cast %get3A_287 : vector<1x1x16xf32> to vector<16xf32>
      %get3A_289 = arith.index_cast %scan3A_158 : i32 to index
      %get3A_290 = arith.constant 48 : index
      %get3A_291 = tpu.vector_load %arg6[%get3A_289, %get3A_290] {strides = array<i32>} : memref<200x64xf32, #tpu.memory_space<vmem>>, vector<1x16xf32>,
      %get3A_292 = vector.shape_cast %get3A_291 : vector<1x16xf32> to vector<16xf32>
      %add3A_293 = arith.addf %get3A_288, %get3A_292 : vector<16xf32>
      %swap3A_294 = arith.constant 1 : i32
      %swap3A_295 = arith.index_cast %swap3A_294 : i32 to index
      %swap3A_296 = arith.index_cast %scan3A_158 : i32 to index
      %swap3A_297 = arith.constant 48 : index
      %swap3A_298 = tpu.vector_load %arg8[%swap3A_295, %swap3A_296, %swap3A_297] {strides = array<i32>} : memref<2x200x64xf32, #tpu.memory_space<vmem>>, vector<1x1x16xf32>,
      %swap3A_299 = vector.shape_cast %swap3A_298 : vector<1x1x16xf32> to vector<16xf32>
      %swap3A_300 = vector.shape_cast %add3A_293 : vector<16xf32> to vector<1x1x16xf32>
      tpu.vector_store %arg8[%swap3A_295, %swap3A_296, %swap3A_297], %swap3A_300 {strides = array<i32>} : memref<2x200x64xf32, #tpu.memory_space<vmem>>, vector<1x1x16xf32>,
    }
    %scan3A_120 = arith.constant 200 : i32
    %mul3A_121 = arith.constant 2 : i32
    %mul3A_122 = arith.muli %add3A_107, %mul3A_121 : i32
    %add3A_123 = arith.addi %mul3A_2, %mul3A_122 : i32
    %dma_start3A_124 = arith.constant 0 : i32
    %dma_start3A_125 = arith.constant 0 : i32
    %dma_start3A_126 = tpu.memref_slice %arg5[%add3A_123, %dma_start3A_124, %dma_start3A_125] : memref<4096x200x64xf32, #tpu.memory_space<hbm>> -> memref<2x200x64xf32, #tpu.memory_space<hbm>>
    %dma_start3A_127 = arith.constant 0 : i32
    %dma_start3A_128 = arith.constant 0 : i32
    %dma_start3A_129 = tpu.memref_slice %arg5[%add3A_123, %dma_start3A_127, %dma_start3A_128] : memref<4096x200x64xf32, #tpu.memory_space<hbm>> -> memref<2x200x64xf32, #tpu.memory_space<hbm>>
    tpu.enqueue_dma source(%arg8 : memref<2x200x64xf32, #tpu.memory_space<vmem>>) target(%dma_start3A_129 : memref<2x200x64xf32, #tpu.memory_space<hbm>>) target_semaphore(%arg14 : memref<!tpu.dma_semaphore, #tpu.memory_space<semaphore_mem>>)
    %add3A_130 = arith.constant 2 : i32
    %add3A_131 = arith.addi %add3A_107, %add3A_130 : i32
    %lt3A = arith.constant 64 : i32
    %lt3A_132 = arith.cmpi slt, %add3A_131, %lt3A : i32
    %convert_element_type3A = arith.extui %lt3A_132 : i1 to i32
    %cond3A = arith.constant 0 : i32
    %cond3A_133 = arith.cmpi ne, %convert_element_type3A, %cond3A : i32
    scf.if %cond3A_133 {
      %ge3A = arith.constant 3 : i32
      %ge3A_158 = arith.cmpi sge, %add3A_131, %ge3A : i32
      %convert_element_type3A_159 = arith.extui %ge3A_158 : i1 to i32
      %cond3A_160 = arith.constant 0 : i32
      %cond3A_161 = arith.cmpi ne, %convert_element_type3A_159, %cond3A_160 : i32
      scf.if %cond3A_161 {
        %dma_wait3A_222 = arith.constant 0 : i32
        %dma_wait3A_223 = arith.constant 0 : i32
        %dma_wait3A_224 = arith.constant 0 : i32
        %dma_wait3A_225 = tpu.memref_slice %arg5[%dma_wait3A_222, %dma_wait3A_223, %dma_wait3A_224] : memref<4096x200x64xf32, #tpu.memory_space<hbm>> -> memref<2x200x64xf32, #tpu.memory_space<hbm>>
        %dma_wait3A_226 = arith.constant 0 : i32
        %dma_wait3A_227 = arith.constant 0 : i32
        %dma_wait3A_228 = arith.constant 0 : i32
        %dma_wait3A_229 = tpu.memref_slice %arg5[%dma_wait3A_226, %dma_wait3A_227, %dma_wait3A_228] : memref<4096x200x64xf32, #tpu.memory_space<hbm>> -> memref<2x200x64xf32, #tpu.memory_space<hbm>>
        tpu.wait_dma2 semaphore(%arg16 : memref<!tpu.dma_semaphore, #tpu.memory_space<semaphore_mem>>) src(%dma_wait3A_229 : memref<2x200x64xf32, #tpu.memory_space<hbm>>) dst(%arg10 : memref<2x200x64xf32, #tpu.memory_space<vmem>>)
      } else {
      }
      %mul3A_162 = arith.constant 2 : i32
      %mul3A_163 = arith.muli %add3A_131, %mul3A_162 : i32
      %add3A_164 = arith.constant 0 : i32
      %add3A_165 = arith.addi %mul3A_163, %add3A_164 : i32
      %dma_start3A_166 = arith.constant 0 : i32
      %dma_start3A_167 = arith.constant 0 : i32
      %dma_start3A_168 = arith.constant 0 : i32
      %dma_start3A_169 = tpu.memref_slice %arg10[%dma_start3A_166, %dma_start3A_167, %dma_start3A_168] : memref<2x200x64xf32, #tpu.memory_space<vmem>> -> memref<1x128x64xf32, #tpu.memory_space<vmem>>
      %dma_start3A_170 = tpu.memref_squeeze %dma_start3A_169 : memref<1x128x64xf32, #tpu.memory_space<vmem>> -> memref<128x64xf32, #tpu.memory_space<vmem>>
      %dma_start3A_171 = arith.constant 0 : i32
      %dma_start3A_172 = tpu.memref_slice %arg7[%add3A_165, %dma_start3A_171] : memref<128x200xi32, #tpu.memory_space<vmem>> -> memref<1x128xi32, #tpu.memory_space<vmem>>
      %dma_start3A_173 = tpu.memref_squeeze %dma_start3A_172 : memref<1x128xi32, #tpu.memory_space<vmem>> -> memref<128xi32, #tpu.memory_space<vmem>>
      %dma_start3A_174 = arith.constant 0 : i32
      %dma_start3A_175 = arith.constant 0 : i32
      %dma_start3A_176 = tpu.memref_slice %arg3[%dma_start3A_174, %dma_start3A_175] : memref<1000000x64xf32, #tpu.memory_space<hbm>> -> memref<1000000x64xf32, #tpu.memory_space<hbm>>
      tpu.enqueue_indirect_dma source(%dma_start3A_176 : memref<1000000x64xf32, #tpu.memory_space<hbm>>) target(%dma_start3A_170 : memref<128x64xf32, #tpu.memory_space<vmem>>) offsets(%dma_start3A_173 : memref<128xi32, #tpu.memory_space<vmem>>) semaphore(%arg13 : memref<!tpu.dma_semaphore, #tpu.memory_space<semaphore_mem>>)
      %mul3A_177 = arith.constant 2 : i32
      %mul3A_178 = arith.muli %add3A_131, %mul3A_177 : i32
      %add3A_179 = arith.constant 0 : i32
      %add3A_180 = arith.addi %mul3A_178, %add3A_179 : i32
      %dma_start3A_181 = arith.constant 0 : i32
      %dma_start3A_182 = arith.constant 128 : i32
      %dma_start3A_183 = arith.constant 0 : i32
      %dma_start3A_184 = tpu.memref_slice %arg10[%dma_start3A_181, %dma_start3A_182, %dma_start3A_183] : memref<2x200x64xf32, #tpu.memory_space<vmem>> -> memref<1x72x64xf32, #tpu.memory_space<vmem>>
      %dma_start3A_185 = tpu.memref_squeeze %dma_start3A_184 : memref<1x72x64xf32, #tpu.memory_space<vmem>> -> memref<72x64xf32, #tpu.memory_space<vmem>>
      %dma_start3A_186 = arith.constant 128 : i32
      %dma_start3A_187 = tpu.memref_slice %arg7[%add3A_180, %dma_start3A_186] : memref<128x200xi32, #tpu.memory_space<vmem>> -> memref<1x72xi32, #tpu.memory_space<vmem>>
      %dma_start3A_188 = tpu.memref_squeeze %dma_start3A_187 : memref<1x72xi32, #tpu.memory_space<vmem>> -> memref<72xi32, #tpu.memory_space<vmem>>
      %dma_start3A_189 = arith.constant 0 : i32
      %dma_start3A_190 = arith.constant 0 : i32
      %dma_start3A_191 = tpu.memref_slice %arg3[%dma_start3A_189, %dma_start3A_190] : memref<1000000x64xf32, #tpu.memory_space<hbm>> -> memref<1000000x64xf32, #tpu.memory_space<hbm>>
      tpu.enqueue_indirect_dma source(%dma_start3A_191 : memref<1000000x64xf32, #tpu.memory_space<hbm>>) target(%dma_start3A_185 : memref<72x64xf32, #tpu.memory_space<vmem>>) offsets(%dma_start3A_188 : memref<72xi32, #tpu.memory_space<vmem>>) semaphore(%arg13 : memref<!tpu.dma_semaphore, #tpu.memory_space<semaphore_mem>>)
      %mul3A_192 = arith.constant 2 : i32
      %mul3A_193 = arith.muli %add3A_131, %mul3A_192 : i32
      %add3A_194 = arith.constant 1 : i32
      %add3A_195 = arith.addi %mul3A_193, %add3A_194 : i32
      %dma_start3A_196 = arith.constant 1 : i32
      %dma_start3A_197 = arith.constant 0 : i32
      %dma_start3A_198 = arith.constant 0 : i32
      %dma_start3A_199 = tpu.memref_slice %arg10[%dma_start3A_196, %dma_start3A_197, %dma_start3A_198] : memref<2x200x64xf32, #tpu.memory_space<vmem>> -> memref<1x128x64xf32, #tpu.memory_space<vmem>>
      %dma_start3A_200 = tpu.memref_squeeze %dma_start3A_199 : memref<1x128x64xf32, #tpu.memory_space<vmem>> -> memref<128x64xf32, #tpu.memory_space<vmem>>
      %dma_start3A_201 = arith.constant 0 : i32
      %dma_start3A_202 = tpu.memref_slice %arg7[%add3A_195, %dma_start3A_201] : memref<128x200xi32, #tpu.memory_space<vmem>> -> memref<1x128xi32, #tpu.memory_space<vmem>>
      %dma_start3A_203 = tpu.memref_squeeze %dma_start3A_202 : memref<1x128xi32, #tpu.memory_space<vmem>> -> memref<128xi32, #tpu.memory_space<vmem>>
      %dma_start3A_204 = arith.constant 0 : i32
      %dma_start3A_205 = arith.constant 0 : i32
      %dma_start3A_206 = tpu.memref_slice %arg3[%dma_start3A_204, %dma_start3A_205] : memref<1000000x64xf32, #tpu.memory_space<hbm>> -> memref<1000000x64xf32, #tpu.memory_space<hbm>>
      tpu.enqueue_indirect_dma source(%dma_start3A_206 : memref<1000000x64xf32, #tpu.memory_space<hbm>>) target(%dma_start3A_200 : memref<128x64xf32, #tpu.memory_space<vmem>>) offsets(%dma_start3A_203 : memref<128xi32, #tpu.memory_space<vmem>>) semaphore(%arg13 : memref<!tpu.dma_semaphore, #tpu.memory_space<semaphore_mem>>)
      %mul3A_207 = arith.constant 2 : i32
      %mul3A_208 = arith.muli %add3A_131, %mul3A_207 : i32
      %add3A_209 = arith.constant 1 : i32
      %add3A_210 = arith.addi %mul3A_208, %add3A_209 : i32
      %dma_start3A_211 = arith.constant 1 : i32
      %dma_start3A_212 = arith.constant 128 : i32
      %dma_start3A_213 = arith.constant 0 : i32
      %dma_start3A_214 = tpu.memref_slice %arg10[%dma_start3A_211, %dma_start3A_212, %dma_start3A_213] : memref<2x200x64xf32, #tpu.memory_space<vmem>> -> memref<1x72x64xf32, #tpu.memory_space<vmem>>
      %dma_start3A_215 = tpu.memref_squeeze %dma_start3A_214 : memref<1x72x64xf32, #tpu.memory_space<vmem>> -> memref<72x64xf32, #tpu.memory_space<vmem>>
      %dma_start3A_216 = arith.constant 128 : i32
      %dma_start3A_217 = tpu.memref_slice %arg7[%add3A_210, %dma_start3A_216] : memref<128x200xi32, #tpu.memory_space<vmem>> -> memref<1x72xi32, #tpu.memory_space<vmem>>
      %dma_start3A_218 = tpu.memref_squeeze %dma_start3A_217 : memref<1x72xi32, #tpu.memory_space<vmem>> -> memref<72xi32, #tpu.memory_space<vmem>>
      %dma_start3A_219 = arith.constant 0 : i32
      %dma_start3A_220 = arith.constant 0 : i32
      %dma_start3A_221 = tpu.memref_slice %arg3[%dma_start3A_219, %dma_start3A_220] : memref<1000000x64xf32, #tpu.memory_space<hbm>> -> memref<1000000x64xf32, #tpu.memory_space<hbm>>
      tpu.enqueue_indirect_dma source(%dma_start3A_221 : memref<1000000x64xf32, #tpu.memory_space<hbm>>) target(%dma_start3A_215 : memref<72x64xf32, #tpu.memory_space<vmem>>) offsets(%dma_start3A_218 : memref<72xi32, #tpu.memory_space<vmem>>) semaphore(%arg13 : memref<!tpu.dma_semaphore, #tpu.memory_space<semaphore_mem>>)
    } else {
    }
    %dma_wait3A_134 = arith.constant 0 : i32
    %dma_wait3A_135 = arith.constant 0 : i32
    %dma_wait3A_136 = arith.constant 0 : i32
    %dma_wait3A_137 = tpu.memref_slice %arg5[%dma_wait3A_134, %dma_wait3A_135, %dma_wait3A_136] : memref<4096x200x64xf32, #tpu.memory_space<hbm>> -> memref<2x200x64xf32, #tpu.memory_space<hbm>>
    %dma_wait3A_138 = arith.constant 0 : i32
    %dma_wait3A_139 = arith.constant 0 : i32
    %dma_wait3A_140 = arith.constant 0 : i32
    %dma_wait3A_141 = tpu.memref_slice %arg5[%dma_wait3A_138, %dma_wait3A_139, %dma_wait3A_140] : memref<4096x200x64xf32, #tpu.memory_space<hbm>> -> memref<2x200x64xf32, #tpu.memory_space<hbm>>
    tpu.wait_dma2 semaphore(%arg14 : memref<!tpu.dma_semaphore, #tpu.memory_space<semaphore_mem>>) src(%dma_wait3A_141 : memref<2x200x64xf32, #tpu.memory_space<hbm>>) dst(%arg8 : memref<2x200x64xf32, #tpu.memory_space<vmem>>)
    %dma_wait3A_142 = arith.constant 0 : i32
    %dma_wait3A_143 = arith.constant 0 : i32
    %dma_wait3A_144 = arith.constant 0 : i32
    %dma_wait3A_145 = tpu.memref_slice %arg5[%dma_wait3A_142, %dma_wait3A_143, %dma_wait3A_144] : memref<4096x200x64xf32, #tpu.memory_space<hbm>> -> memref<2x200x64xf32, #tpu.memory_space<hbm>>
    %dma_wait3A_146 = arith.constant 0 : i32
    %dma_wait3A_147 = arith.constant 0 : i32
    %dma_wait3A_148 = arith.constant 0 : i32
    %dma_wait3A_149 = tpu.memref_slice %arg5[%dma_wait3A_146, %dma_wait3A_147, %dma_wait3A_148] : memref<4096x200x64xf32, #tpu.memory_space<hbm>> -> memref<2x200x64xf32, #tpu.memory_space<hbm>>
    tpu.wait_dma2 semaphore(%arg15 : memref<!tpu.dma_semaphore, #tpu.memory_space<semaphore_mem>>) src(%dma_wait3A_149 : memref<2x200x64xf32, #tpu.memory_space<hbm>>) dst(%arg9 : memref<2x200x64xf32, #tpu.memory_space<vmem>>)
    %dma_wait3A_150 = arith.constant 0 : i32
    %dma_wait3A_151 = arith.constant 0 : i32
    %dma_wait3A_152 = arith.constant 0 : i32
    %dma_wait3A_153 = tpu.memref_slice %arg5[%dma_wait3A_150, %dma_wait3A_151, %dma_wait3A_152] : memref<4096x200x64xf32, #tpu.memory_space<hbm>> -> memref<2x200x64xf32, #tpu.memory_space<hbm>>
    %dma_wait3A_154 = arith.constant 0 : i32
    %dma_wait3A_155 = arith.constant 0 : i32
    %dma_wait3A_156 = arith.constant 0 : i32
    %dma_wait3A_157 = tpu.memref_slice %arg5[%dma_wait3A_154, %dma_wait3A_155, %dma_wait3A_156] : memref<4096x200x64xf32, #tpu.memory_space<hbm>> -> memref<2x200x64xf32, #tpu.memory_space<hbm>>
    tpu.wait_dma2 semaphore(%arg16 : memref<!tpu.dma_semaphore, #tpu.memory_space<semaphore_mem>>) src(%dma_wait3A_157 : memref<2x200x64xf32, #tpu.memory_space<hbm>>) dst(%arg10 : memref<2x200x64xf32, #tpu.memory_space<vmem>>)
    return
  }
}

</mosaic_0001>

<sc_bundles>
// kernel: kernel.3.cloned.1.call-start
scs
__scs_entry_jumppad:
0x0: {  	(pc) =	sbr.rel $0x88, $3  }
0x1: {  	(tag) =	ssettag $0x0;
	lr =	simm.s32 $0x1  }
0x2: {  	[smem:$0x3F9E] =	sst lr;
	_ =	strace $0xD0000000  }
0x3: {  	_ = 	snop  }
0x4: {  	_ = 	snop  }
0x5: {  	_ = 	snop  }
0x6: {  	_ = 	snop  }
0x7: {  	_ = 	snop  }
__scs_overlays_trampoline_lowered:
0x8: {  	[smem:$0x3FAD] =	sst s0  }
0x9: {  	[smem:$0x3FAE] =	sst s1  }
0xa: {  	[smem:$0x3FAF] =	sst s2  }
0xb: {  	[smem:$0x3FB0] =	sst s3  }
0xc: {  	[smem:$0x3FB1] =	sst s4  }
0xd: {  	[smem:$0x3FB2] =	sst s5  }
0xe: {  	[smem:$0x3FB3] =	sst s6  }
0xf: {  	[smem:$0x3FB4] =	sst s7  }
0x10: {  	[smem:$0x3FB5] =	sst s8  }
0x11: {  	[smem:$0x3FB6] =	sst s9;
	s0 =	simm.s32 @!p0 $0x0  }
0x12: {  	s1 =	sld [smem:$0x3F9C];
	s0 =	simm.s32 @p0 $0x1  }
0x13: {  	[smem:$0x3FB7] =	sst s0;
	s0 =	simm.s32 @!p1 $0x0  }
0x14: {  	s2 =	sld [smem:$0x3F9B];
	s0 =	simm.s32 @p1 $0x1  }
0x15: {  	[smem:$0x3FB8] =	sst s0;
	s0 =	simm.s32 @!p2 $0x0  }
0x16: {  	s3 =	sld [smem:$0x3FDB];
	s0 =	simm.s32 @p2 $0x1  }
0x17: {  	s4 =	simm.s32 $0x1BF5;
	[smem:$0x3FBA] =	sst s0  }
0x18: {  	s0 =	sld [smem:$0x3F9D];
	_ =	swait.ge [sflag:s4], $0x0  }
0x19: {  	s7 =	sld [smem:$0x3F9E]  }
0x1a: {  	s8 =	sadd.s32 $0xFFFFE003, lr  }
0x1b: {  	s9 =	sadd.s32 $0xFFFFFEF7, lr;
	s5 =	simm.s32 $0xFFFFFFFF;
	p2 =	slt.u32 s8, $0xFFFFF086  }
0x1c: {  	p1 =	slt.u32 s9, $0xF7A;
	s5 =	simm.s32 @!p2 $0x0  }
0x1d: {  	s5 =	simm.s32 @p1 $0x1;
	p0 =	seq.s32 s7, s2  }
0x1e: {  	s7 =	smul.u32 @!p0 $0xF7A, s2;
	p2 =	seq.s32 @!p0 s5, $0x0  }
0x1f: {  	s9 =	smul.u32 $0xF7A, s1;
	s8 =	simm.s32 @!p0 $0x1BF5;
	p2 =	por !p2, p0  }
0x20: {  	[sflag:s8] =	ssyncset.s32 @!p0 $0xFFFFF086;
	s6 =	sadd.s32 @!p0 s3, s7;
	s7 =	simm.s32 @!p0 $0x108  }
0x21: {  	s3 =	sadd.s32 s3, s9;
	s6 =	sadd.s32 @!p0 $0x88, s6;
	s7 =	simm.s32 @p2 $0x1082  }
0x22: {  	[simem:s7], [sflag:s8] =	dma.local @!p0 [hbm:s6], $0xF7A  }
0x23: {  	s9 =	sor.u32 $0xD0000000, s2;
	s6 =	simm.s32 $0x108;
	_ =	swait.ge @!p0 [sflag:s8], $0x0  }
0x24: {  	s3 =	sadd.s32 $0x88, s3;
	s6 =	simm.s32 @!p1 $0x1082;
	[sflag:s4] =	ssyncset.s32 $0xFFFFF086  }
0x25: {  	[simem:s6], [sflag:s4] =	dma.local [hbm:s3], $0xF7A  }
0x26: {  	[smem:$0x3F9E] =	sst s1;
	(tag) =	ssettag s2;
	_ =	strace s9  }
0x27: {  	s1 =	sld [smem:$0x3FAE]  }
0x28: {  	s2 =	sld [smem:$0x3FAF]  }
0x29: {  	s4 =	sld [smem:$0x3FB1]  }
0x2a: {  	p0 =	seq.s32 s5, $0x0;
	s5 =	sld [smem:$0x3FB2]  }
0x2b: {  	s6 =	sld [smem:$0x3FB3]  }
0x2c: {  	s7 =	sld [smem:$0x3FB4]  }
0x2d: {  	s3 =	simm.s32 $0x108;
	s8 =	sld [smem:$0x3FB5]  }
0x2e: {  	s3 =	simm.s32 @!p0 $0x1082;
	s9 =	sld [smem:$0x3FB6]  }
0x2f: {  	lr =	sadd.s32 s0, s3;
	s0 =	sld [smem:$0x3FAD]  }
0x30: {  	s3 =	sld [smem:$0x3FB0]  }
0x31: {  	[smem:$0x3FB9] =	sst s10  }
0x32: {  	s10 =	sld [smem:$0x3FB7];
	_ =	sdelay $0x3  }
0x33: {  	p0 =	seq.s32 s10, $0x1;
	s10 =	sld [smem:$0x3FB9];
	_ =	sdelay $0x3  }
0x34: {  	[smem:$0x3FB9] =	sst s10  }
0x35: {  	s10 =	sld [smem:$0x3FB8];
	_ =	sdelay $0x3  }
0x36: {  	p1 =	seq.s32 s10, $0x1;
	s10 =	sld [smem:$0x3FB9];
	_ =	sdelay $0x3  }
0x37: {  	[smem:$0x3FB9] =	sst s10  }
0x38: {  	s10 =	sld [smem:$0x3FBA]  }
0x39: {  	_ = 	snop;
	(pc) =	sbr.ind lr, $3  }
0x3a: {  	_ = 	snop  }
0x3b: {  	_ = 	snop  }
0x3c: {  	p2 =	seq.s32 s10, $0x1;
	s10 =	sld [smem:$0x3FB9]  }
0x3d: {  	_ =	shalt  }
0x3e: {  	_ =	shalt  }
0x3f: {  	_ =	shalt  }
0x40: {  	_ =	shalt  }
0x41: {  	_ =	shalt  }
0x42: {  	_ =	shalt  }
0x43: {  	_ =	shalt  }
0x44: {  	_ =	shalt  }
0x45: {  	_ =	shalt  }
0x46: {  	_ =	shalt  }
0x47: {  	_ =	shalt  }
0x48: {  	_ =	shalt  }
0x49: {  	_ =	shalt  }
0x4a: {  	_ =	shalt  }
0x4b: {  	_ =	shalt  }
0x4c: {  	_ =	shalt  }
0x4d: {  	_ =	shalt  }
0x4e: {  	_ =	shalt  }
0x4f: {  	_ =	shalt  }
0x50: {  	_ =	shalt  }
0x51: {  	_ =	shalt  }
0x52: {  	_ =	shalt  }
0x53: {  	_ =	shalt  }
0x54: {  	_ =	shalt  }
0x55: {  	_ =	shalt  }
0x56: {  	_ =	shalt  }
0x57: {  	_ =	shalt  }
0x58: {  	_ =	shalt  }
0x59: {  	_ =	shalt  }
0x5a: {  	_ =	shalt  }
0x5b: {  	_ =	shalt  }
0x5c: {  	_ =	shalt  }
0x5d: {  	_ =	shalt  }
0x5e: {  	_ =	shalt  }
0x5f: {  	_ =	shalt  }
0x60: {  	_ =	shalt  }
0x61: {  	_ =	shalt  }
0x62: {  	_ =	shalt  }
0x63: {  	_ =	shalt  }
0x64: {  	_ =	shalt  }
0x65: {  	_ =	shalt  }
0x66: {  	_ =	shalt  }
0x67: {  	_ =	shalt  }
0x68: {  	_ =	shalt  }
0x69: {  	_ =	shalt  }
0x6a: {  	_ =	shalt  }
0x6b: {  	_ =	shalt  }
0x6c: {  	_ =	shalt  }
0x6d: {  	_ =	shalt  }
0x6e: {  	_ =	shalt  }
0x6f: {  	_ =	shalt  }
0x70: {  	_ =	shalt  }
0x71: {  	_ =	shalt  }
0x72: {  	_ =	shalt  }
0x73: {  	_ =	shalt  }
0x74: {  	_ =	shalt  }
0x75: {  	_ =	shalt  }
0x76: {  	_ =	shalt  }
0x77: {  	_ =	shalt  }
0x78: {  	_ =	shalt  }
0x79: {  	_ =	shalt  }
0x7a: {  	_ =	shalt  }
0x7b: {  	_ =	shalt  }
0x7c: {  	_ =	shalt  }
0x7d: {  	_ =	shalt  }
0x7e: {  	_ =	shalt  }
0x7f: {  	_ =	shalt  }
0x80: {  	_ =	shalt  }
0x81: {  	_ =	shalt  }
0x82: {  	_ =	shalt  }
0x83: {  	_ =	shalt  }
0x84: {  	_ =	shalt  }
0x85: {  	_ =	shalt  }
0x86: {  	_ =	shalt  }
0x87: {  	_ =	shalt  }
.Lfunc_end0:
.L_simem_size_0:
called_computation.1_lowered:
.L_overlay_start_0:
0x88: {  	s2 =	sld [smem:$0x3FD9]  }
0x89: {  	s3 =	sld [smem:$0x3FFE];
	_ =	sdelay $0x1  }
0x8a: {  	s1 =	srdreg.scid  }
0x8b: {  	s0 =	sand.u32 $0x1, s1  }
0x8c: {  	s17 =	sshll.u32 s0, $0xA;
	s2 =	sadd.s32 s3, s2  }
0x8d: {  	s2 =	sadd.s32 s2, s17  }
0x8e: {  	[smem:$0x3FC5] =	sst s2  }
0x8f: {  	_ = 	snop  }
0x90: {  	s2 =	sld [smem:$0x3FD0];
	(tm) =	ssettm $0x1  }
0x91: {  	s18 =	sld [smem:$0x3FFB];
	_ =	sdelay $0x3  }
0x92: {  	_ =	strace s18  }
0x93: {  	s3 =	sld [smem:$0x3FFC];
	_ =	sdelay $0x3  }
0x94: {  	_ =	strace s3  }
0x95: {  	s3 =	sld [smem:$0x3FFD];
	_ =	sdelay $0x3  }
0x96: {  	_ =	strace s3  }
0x97: {  	_ =	strace $0x8FFFFFFF  }
0x98: {  	s19 =	sld [smem:$0x3FDB];
	_ =	sdelay $0x1  }
0x99: {  	s4 =	simm.s32 $_scs_section_size  }
0x9a: {  	s5 =	simm.s32 $_size__tile_overlayer_lowered;
	s6 =	simm.s32 $_tile_overlayer_lowered  }
0x9b: {  	s22 =	simm.s32 $0x1BFF;
	s21 =	sshll.u32 s6, $0x1;
	s3 =	sadd.s32 s4, s19  }
0x9c: {  	s7 =	simm.s32 $0x0;
	s20 =	sshll.u32 s5, $0x1;
	s5 =	sadd.s32 s21, s3  }
0x9d: {  	[timem:s7], [sflag:s22] =	dma.local [hbm:s5], s20  }
0x9e: {  	_ =	swait.ge [sflag:s22], s20  }
0x9f: {  	s4 =	ssub.s32 $0x0, s20;
	[sflag:s22] =	ssyncset.done $0x0  }
0xa0: {  	[sflag:s22] =	ssyncadd.s32 s4;
	_ =	sdelay $0x1  }
0xa1: {  	s23 =	simm.s32 $0x1B8B  }
0xa2: {  	_ =	swait.ge [sflag:s23], $0x1  }
0xa3: {  	[sflag:s23] =	ssyncset.done $0x0  }
0xa4: {  	s25 =	simm.s32 $0x1B8E;
	s24 =	sld [smem:$0x3FFE];
	[sflag:s23] =	ssyncadd.s32 $0xFFFFFFFF  }
0xa5: {  	s26 =	simm.s32 $execute0_lowered;
	[smem:$0x3FD2] =	sst s25  }
0xa6: {  	s5 =	sshll.u32 s26, $0x1;
	_ =	strace $0x80000046;
	[dreg:$0x1] =	wrdreg $0xFFFFFFFF  }
0xa7: {  	s28 =	simm.s32 $_size_execute0_lowered;
	s3 =	sadd.s32 s3, s5;
	[dreg:$0x0] =	wrdreg $0x0  }
0xa8: {  	s5 =	sshll.u32 s28, $0x1;
	[dreg:$0x2] =	wrdreg s3  }
0xa9: {  	[dreg:$0x3] =	wrdreg s5  }
0xaa: {  	[dreg:$0x4] =	wrdreg $0xC0  }
0xab: {  	_ =	task [dreg:s7], $0x5FFFF  }
0xac: {  	[dreg:$0x1] =	wrdreg $0xFFFFFFFF  }
0xad: {  	[dreg:$0x0] =	wrdreg $0x60  }
0xae: {  	[dreg:$0x2] =	wrdreg s24  }
0xaf: {  	[dreg:$0x3] =	wrdreg s2  }
0xb0: {  	[dreg:$0x4] =	wrdreg $0x9  }
0xb1: {  	_ =	task.clear_ibuf [dreg:s7], $0x5FFFF;
	_ =	strace $0x90000046  }
0xb2: {  	s29 =	simm.s32 $0x9;
	_ =	strace $0x80000048  }
0xb3: {  	_ =	swait.ge [sflag:s29], $0x1  }
0xb4: {  	[sflag:s29] =	ssyncadd.s32 $0xFFFFFFFF  }
0xb5: {  	_ =	strace $0x90000048  }
0xb6: {  	_ =	sfence  }
0xb7: {  	s30 =	sld [smem:$0x0];
	_ =	sdelay $0x2  }
0xb8: {  	s31 =	sshll.u32 s1, $0xD;
	s1 =	sshrl.u32 s1, $0x2  }
0xb9: {  	s3 =	sand.u32 $0x4000, s31;
	s1 =	sadd.s32 s1, s30  }
0xba: {  	s0 =	sor.u32 s3, s0;
	s1 =	sshll.u32 s1, $0x11  }
0xbb: {  	s0 =	sor.u32 s1, s0  }
0xbc: {  	s0 =	sadd.s32 $0x8F2B, s0  }
0xbd: {  	[sflag:s0] =	ssyncadd.remote.s32 $0x1  }
0xbe: {  	_ =	sfence.sel $0xFFFF  }
0xbf: {  	[dreg:$0x0] =	wrdreg $0xFFFFFFFF;
	(pc) =	sbr.abs _section_cstart, $3  }
0xc0: {  	[dreg:$0x1] =	wrdreg $0xFFFFFFFF  }
0xc1: {  	_ =	task.clear_ibuf [dreg:s7], $0x2FFFF;
	_ =	strace $0x9FFFFFFF  }
0xc2: {  	(tm) =	ssettm $0x7FFFFFFF  }
0xc3: {  	_ =	shalt  }
tec
execute0_lowered:
.L_overlay_start_1:
0x0: {  	(tag) =	ssettag $0x1  }
0x1: {  	s0 =	srdreg.scid;
	s1 =	rddreg [dreg:$0x0]  }
0x2: {  	s3 =	stileid.u32;
	s2 =	rddreg [dreg:$0x1]  }
0x3: {  	s13 =	simm.s32 $0x80;
	s14 =	simm.s32 $0x9600;
	s15 =	simm.s32 $0x48  }
0x4: {  	s17 =	simm.s32 $0xB600;
	s19 =	simm.s32 $0xC800;
	s21 =	simm.s32 $0xE800  }
0x5: {  	s23 =	simm.s32 $0xFA00;
	s28 =	simm.s32 $0x12C00;
	s30 =	simm.s32 $0x14C00  }
0x6: {  	s31 =	simm.s32 $0x1;
	s16 =	simm.s32 $0x19000;
	s18 =	simm.s32 $0x1B000  }
0x7: {  	s20 =	simm.s32 $0x2;
	s22 =	simm.s32 $0x4;
	s0 =	sand.u32 $0x1, s0  }
0x8: {  	s24 =	simm.s32 $0x3;
	s4 =	sshll.u32 s3, $0x8;
	s5 =	sshll.u32 s0, $0x7  }
0x9: {  	s3 =	simm.s32 $0x0;
	s0 =	ssub.s32 $0x2, s0;
	s4 =	sor.u32 s5, s4  }
0xa: {  	[smem:$0x7FF] =	sst s3;
	s25 =	sshrl.u32 s0, $0x1;
	s5 =	smul.u32 $0x19, s4  }
0xb: {  	_ =	strace $0x80000047;
	s6 =	smul.u32 $0x3200, s4;
	s0 =	ssub.s32 s0, s25  }
0xc: {  	s8 =	sor.u32 $0x2, s4;
	s25 =	simm.s32 $0x11A00;
	s0 =	smax.u32 s0, $0x1  }
0xd: {  	s7 =	sadd.s32 s5, s1;
	s5 =	sadd.s32 $0xF43000, s1;
	s1 =	sadd.s32 $0x19C00, s1  }
0xe: {  	s6 =	sshrl.u32 s6, $0x3;
	[dreg:$0x6] =	wrdreg s0;
	s0 =	simm.s32 $0x17E00  }
0xf: {  	[dreg:$0x3] =	wrdreg s1;
	s26 =	sadd.s32 $0xC00, s7;
	s29 =	sadd.s32 s2, s6  }
0x10: {  	s6 =	simm.s32 $0x0;
	[dreg:$0x4] =	wrdreg s26;
	s1 =	sadd.s32 $0x31380, s29  }
0x11: {  	s26 =	simm.s32 $0x5;
	[dreg:$0x5] =	wrdreg s1;
	s1 =	simm.s32 $0x15E00  }
.LBB2_1:
0x12: {  	s7 =	rddreg [dreg:$0x3];
	s9 =	simm.s32 $0x7  }
0x13: {  	[tilespmem:s3], [sflag:$0x7] =	stream.linear.gather [hbm4b:s7+s3], $0x3200, $0x38;
	[tilespmem:$0x1C200] =	vst v63  }
0x14: {  	_ =	swait.ge [sflag:s9], $0x3200  }
0x15: {  	[sflag:s9] =	ssyncset.done $0x0  }
0x16: {  	s10 =	simm.s32 $0x3200;
	s11 =	rddreg [dreg:$0x4];
	[sflag:s9] =	ssyncadd.s32 $0xFFFFCE00  }
0x17: {  	[tilespmem:s10], [sflag:$0x7] =	stream.linear.gather [hbm4b:s11+s3], $0x6400, $0x38;
	[tilespmem:$0x1C200] =	vst v63  }
0x18: {  	_ =	swait.ge [sflag:s9], $0x6400  }
0x19: {  	[sflag:s9] =	ssyncset.done $0x0  }
0x1a: {  	[sflag:s9] =	ssyncadd.s32 $0xFFFF9C00  }
0x1b: {  	[tilespmem:s14], [sflag:$0x1] =	stream.indirect.gather [hbm4b:s5+s13], $0x40, s10, s13, $0xb8;
	[tilespmem:$0x1C200] =	vst v63  }
0x1c: {  	s12 =	simm.s32 $0x3280  }
0x1d: {  	[tilespmem:s17], [sflag:$0x1] =	stream.indirect.gather [hbm4b:s5+s15], $0x40, s12, s15, $0xb8;
	[tilespmem:$0x1C200] =	vst v63  }
0x1e: {  	s29 =	simm.s32 $0x32C8  }
0x1f: {  	[tilespmem:s19], [sflag:$0x1] =	stream.indirect.gather [hbm4b:s5+s13], $0x40, s29, s13, $0xb8;
	[tilespmem:$0x1C200] =	vst v63  }
0x20: {  	s9 =	simm.s32 $0x3348  }
0x21: {  	[tilespmem:s21], [sflag:$0x1] =	stream.indirect.gather [hbm4b:s5+s15], $0x40, s9, s15, $0xb8;
	[tilespmem:$0x1C200] =	vst v63  }
0x22: {  	s10 =	simm.s32 $0x3390  }
0x23: {  	[tilespmem:s23], [sflag:$0x2] =	stream.indirect.gather [hbm4b:s5+s13], $0x40, s10, s13, $0xb8;
	[tilespmem:$0x1C200] =	vst v63  }
0x24: {  	s11 =	simm.s32 $0x3410  }
0x25: {  	[tilespmem:s25], [sflag:$0x2] =	stream.indirect.gather [hbm4b:s5+s15], $0x40, s11, s15, $0xb8;
	[tilespmem:$0x1C200] =	vst v63  }
0x26: {  	s12 =	simm.s32 $0x3458  }
0x27: {  	[tilespmem:s28], [sflag:$0x2] =	stream.indirect.gather [hbm4b:s5+s13], $0x40, s12, s13, $0xb8;
	[tilespmem:$0x1C200] =	vst v63  }
0x28: {  	s29 =	simm.s32 $0x34D8;
	s12 =	simm.s32 $0x0  }
0x29: {  	[tilespmem:s30], [sflag:$0x2] =	stream.indirect.gather [hbm4b:s5+s15], $0x40, s29, s15, $0xb8;
	[tilespmem:$0x1C200] =	vst v63  }
.LBB2_2:
0x2a: {  	_ =	swait.ge [sflag:s31], $0x6400  }
0x2b: {  	[sflag:s31] =	ssyncset.done $0x0  }
0x2c: {  	s7 =	simm.s32 $0x0;
	[sflag:s31] =	ssyncadd.s32 $0xFFFF9C00  }
0x2d: {  	v4 =	vld [tilespmem:s7+$0x0]  }
0x2e: {  	v2 =	vld [tilespmem:s7+$0x10]  }
0x2f: {  	v1 =	vld [tilespmem:s7+$0x20]  }
0x30: {  	v3 =	vld [tilespmem:s7+$0x30]  }
0x31: {  	v0 =	vld [tilespmem:s7+$0x30]  }
0x32: {  	v6 =	vld [tilespmem:s7+$0x9600]  }
0x33: {  	v10 =	vld [tilespmem:s7+$0x9610]  }
0x34: {  	v9 =	vld [tilespmem:s7+$0x9620]  }
0x35: {  	v8 =	vld [tilespmem:s7+$0x9630]  }
0x36: {  	v7 =	vld [tilespmem:s7+$0xC800]  }
0x37: {  	v5 =	vld [tilespmem:s7+$0xC810];
	v11 =	vadd.f32 v4, v6  }
0x38: {  	s9 =	simm.s32 $0x100;
	v10 =	vadd.f32 v2, v10;
	v6 =	vld [tilespmem:s7+$0xC820]  }
.LBB2_3:
0x39: {  	s10 =	sshra.s32 s9, $0x2;
	p0 =	sne.s32 s9, $0xC700;
	[tilespmem:s7+$0x9600] =	vst v11;
	v9 =	vadd.f32 v1, v9;
	v11 =	vld [tilespmem:s7+$0xC830]  }
0x3a: {  	v12 =	vld [tilespmem:s10+$0x0];
	[tilespmem:s7+$0x9610] =	vst v10;
	v3 =	vadd.f32 v3, v8  }
0x3b: {  	v8 =	vld [tilespmem:s10+$0x10];
	[tilespmem:s7+$0x9620] =	vst v9;
	v4 =	vadd.f32 v4, v7  }
0x3c: {  	v7 =	vld [tilespmem:s10+$0x20];
	[tilespmem:s7+$0x9630] =	vst v3;
	v2 =	vadd.f32 v2, v5  }
0x3d: {  	v3 =	vld [tilespmem:s10+$0x30];
	[tilespmem:s7+$0xC800] =	vst v4;
	v1 =	vadd.f32 v1, v6  }
0x3e: {  	[tilespmem:s7+$0xC810] =	vst v2;
	v9 =	vadd.f32 v0, v11;
	v0 =	vld [tilespmem:s10+$0x30]  }
0x3f: {  	v5 =	vld [tilespmem:s10+$0x9600];
	[tilespmem:s7+$0xC820] =	vst v1;
	v4 =	vmov v12  }
0x40: {  	v6 =	vld [tilespmem:s10+$0x9610];
	[tilespmem:s7+$0xC830] =	vst v9;
	v2 =	vmov v8;
	s7 =	smov.u32 s10  }
.Ltmp0:
0x41: {  	v9 =	vld [tilespmem:s7+$0x9620];
	v1 =	vmov v7;
	(pc) =	sbr.rel @p0 .LBB2_3-.Ltmp0, $4  }
0x42: {  	v8 =	vld [tilespmem:s7+$0x9630]  }
0x43: {  	v7 =	vld [tilespmem:s7+$0xC800]  }
0x44: {  	v11 =	vadd.f32 v4, v5;
	v5 =	vld [tilespmem:s7+$0xC810]  }
0x45: {  	s9 =	sadd.s32 $0x100, s9;
	v10 =	vadd.f32 v2, v6;
	v6 =	vld [tilespmem:s7+$0xC820]  }
0x46: {  	[tilespmem:s7+$0x9600] =	vst v11;
	v9 =	vadd.f32 v1, v9;
	v11 =	vld [tilespmem:s7+$0xC830]  }
0x47: {  	[tilespmem:s7+$0x9610] =	vst v10;
	v3 =	vadd.f32 v3, v8  }
0x48: {  	s9 =	smul.u32 $0x6, s12;
	[tilespmem:s7+$0x9620] =	vst v9;
	v4 =	vadd.f32 v4, v7  }
0x49: {  	[tilespmem:s7+$0x9630] =	vst v3;
	v2 =	vadd.f32 v2, v5  }
0x4a: {  	s11 =	smul.u32 $0x3, s12;
	s10 =	sadd.s32 s4, s9;
	[tilespmem:s7+$0xC800] =	vst v4;
	v1 =	vadd.f32 v1, v6  }
0x4b: {  	s10 =	smul.u32 $0x640, s10;
	[tilespmem:s7+$0xC810] =	vst v2;
	v0 =	vadd.f32 v0, v11  }
0x4c: {  	[tilespmem:s7+$0xC820] =	vst v1  }
0x4d: {  	p0 =	seq.s32 s12, $0x0;
	s10 =	sadd.s32 s2, s10;
	[tilespmem:s7+$0xC830] =	vst v0;
	s7 =	sadd.s32 $0x2, s11  }
0x4e: {  	[hbm4b:s10+s3] =	stream.linear.scatter [tilespmem:s14], [sflag:$0x4], $0x6400, $0x38;
	[tilespmem:$0x1C200] =	vst v63  }
0x4f: {  	s10 =	simm.s32 @!p0 $0x6;
	s29 =	smul.u32 $0x640, s7  }
0x50: {  	_ =	swait.ge @!p0 [sflag:s10], $0x6400  }
0x51: {  	[sflag:s10] =	ssyncset.done @!p0 $0x0;
	s29 =	sshra.s32 s29, $0x2  }
0x52: {  	[sflag:s10] =	ssyncadd.s32 @!p0 $0xFFFF9C00;
	s11 =	sadd.s32 $0x3200, s29  }
0x53: {  	[tilespmem:s1], [sflag:$0x3] =	stream.indirect.gather [hbm4b:s5+s13], $0x40, s11, s13, $0xb8;
	[tilespmem:$0x1C200] =	vst v63  }
0x54: {  	s11 =	sadd.s32 $0x3280, s29  }
0x55: {  	[tilespmem:s0], [sflag:$0x3] =	stream.indirect.gather [hbm4b:s5+s15], $0x40, s11, s15, $0xb8;
	[tilespmem:$0x1C200] =	vst v63  }
0x56: {  	s11 =	sadd.s32 $0x32C8, s29  }
0x57: {  	[tilespmem:s16], [sflag:$0x3] =	stream.indirect.gather [hbm4b:s5+s13], $0x40, s11, s13, $0xb8;
	[tilespmem:$0x1C200] =	vst v63  }
0x58: {  	s11 =	sadd.s32 $0x3348, s29  }
0x59: {  	[tilespmem:s18], [sflag:$0x3] =	stream.indirect.gather [hbm4b:s5+s15], $0x40, s11, s15, $0xb8;
	[tilespmem:$0x1C200] =	vst v63  }
0x5a: {  	_ =	swait.ge [sflag:s20], $0x6400  }
0x5b: {  	[sflag:s20] =	ssyncset.done $0x0  }
0x5c: {  	s10 =	simm.s32 $0x0;
	[sflag:s20] =	ssyncadd.s32 $0xFFFF9C00  }
0x5d: {  	v4 =	vld [tilespmem:s10+$0x0]  }
0x5e: {  	v2 =	vld [tilespmem:s10+$0x10]  }
0x5f: {  	v1 =	vld [tilespmem:s10+$0x20]  }
0x60: {  	v3 =	vld [tilespmem:s10+$0x30]  }
0x61: {  	v0 =	vld [tilespmem:s10+$0x30]  }
0x62: {  	v6 =	vld [tilespmem:s10+$0xFA00]  }
0x63: {  	v10 =	vld [tilespmem:s10+$0xFA10]  }
0x64: {  	v9 =	vld [tilespmem:s10+$0xFA20]  }
0x65: {  	v8 =	vld [tilespmem:s10+$0xFA30]  }
0x66: {  	v7 =	vld [tilespmem:s10+$0x12C00]  }
0x67: {  	v5 =	vld [tilespmem:s10+$0x12C10];
	v11 =	vadd.f32 v4, v6  }
0x68: {  	s29 =	simm.s32 $0x100;
	v10 =	vadd.f32 v2, v10;
	v6 =	vld [tilespmem:s10+$0x12C20]  }
.LBB2_5:
0x69: {  	s11 =	sshra.s32 s29, $0x2;
	p0 =	sne.s32 s29, $0xC700;
	[tilespmem:s10+$0xFA00] =	vst v11;
	v9 =	vadd.f32 v1, v9;
	v11 =	vld [tilespmem:s10+$0x12C30]  }
0x6a: {  	v12 =	vld [tilespmem:s11+$0x0];
	[tilespmem:s10+$0xFA10] =	vst v10;
	v3 =	vadd.f32 v3, v8  }
0x6b: {  	v8 =	vld [tilespmem:s11+$0x10];
	[tilespmem:s10+$0xFA20] =	vst v9;
	v4 =	vadd.f32 v4, v7  }
0x6c: {  	v7 =	vld [tilespmem:s11+$0x20];
	[tilespmem:s10+$0xFA30] =	vst v3;
	v2 =	vadd.f32 v2, v5  }
0x6d: {  	v3 =	vld [tilespmem:s11+$0x30];
	[tilespmem:s10+$0x12C00] =	vst v4;
	v1 =	vadd.f32 v1, v6  }
0x6e: {  	[tilespmem:s10+$0x12C10] =	vst v2;
	v9 =	vadd.f32 v0, v11;
	v0 =	vld [tilespmem:s11+$0x30]  }
0x6f: {  	v5 =	vld [tilespmem:s11+$0xFA00];
	[tilespmem:s10+$0x12C20] =	vst v1;
	v4 =	vmov v12  }
0x70: {  	v6 =	vld [tilespmem:s11+$0xFA10];
	[tilespmem:s10+$0x12C30] =	vst v9;
	v2 =	vmov v8;
	s10 =	smov.u32 s11  }
.Ltmp1:
0x71: {  	v9 =	vld [tilespmem:s10+$0xFA20];
	v1 =	vmov v7;
	(pc) =	sbr.rel @p0 .LBB2_5-.Ltmp1, $4  }
0x72: {  	v8 =	vld [tilespmem:s10+$0xFA30]  }
0x73: {  	v7 =	vld [tilespmem:s10+$0x12C00]  }
0x74: {  	v11 =	vadd.f32 v4, v5;
	v5 =	vld [tilespmem:s10+$0x12C10]  }
0x75: {  	s29 =	sadd.s32 $0x100, s29;
	v10 =	vadd.f32 v2, v6;
	v6 =	vld [tilespmem:s10+$0x12C20]  }
0x76: {  	[tilespmem:s10+$0xFA00] =	vst v11;
	v9 =	vadd.f32 v1, v9;
	v11 =	vld [tilespmem:s10+$0x12C30]  }
0x77: {  	[tilespmem:s10+$0xFA10] =	vst v10;
	v3 =	vadd.f32 v3, v8  }
0x78: {  	[tilespmem:s10+$0xFA20] =	vst v9;
	v4 =	vadd.f32 v4, v7  }
0x79: {  	[tilespmem:s10+$0xFA30] =	vst v3;
	v2 =	vadd.f32 v2, v5  }
0x7a: {  	s9 =	sadd.s32 s9, s8;
	[tilespmem:s10+$0x12C00] =	vst v4;
	v1 =	vadd.f32 v1, v6  }
0x7b: {  	s9 =	smul.u32 $0x640, s9;
	[tilespmem:s10+$0x12C10] =	vst v2;
	v0 =	vadd.f32 v0, v11  }
0x7c: {  	[tilespmem:s10+$0x12C20] =	vst v1  }
0x7d: {  	s11 =	simm.s32 $0x0;
	s9 =	sadd.s32 s2, s9;
	[tilespmem:s10+$0x12C30] =	vst v0;
	s10 =	smul.u32 $0x12C0, s12  }
0x7e: {  	[hbm4b:s9+s11] =	stream.linear.scatter [tilespmem:s23], [sflag:$0x5], $0x6400, $0x38;
	[tilespmem:$0x1C200] =	vst v63  }
0x7f: {  	_ =	swait.ge [sflag:s22], $0x6400  }
0x80: {  	s9 =	sshra.s32 s10, $0x2;
	[sflag:s22] =	ssyncset.done $0x0  }
0x81: {  	s11 =	sadd.s32 $0x36B0, s9;
	[sflag:s22] =	ssyncadd.s32 $0xFFFF9C00  }
0x82: {  	[tilespmem:s14], [sflag:$0x1] =	stream.indirect.gather [hbm4b:s5+s13], $0x40, s11, s13, $0xb8;
	[tilespmem:$0x1C200] =	vst v63  }
0x83: {  	s11 =	sadd.s32 $0x3730, s9  }
0x84: {  	[tilespmem:s17], [sflag:$0x1] =	stream.indirect.gather [hbm4b:s5+s15], $0x40, s11, s15, $0xb8;
	[tilespmem:$0x1C200] =	vst v63  }
0x85: {  	s11 =	sadd.s32 $0x3778, s9  }
0x86: {  	[tilespmem:s19], [sflag:$0x1] =	stream.indirect.gather [hbm4b:s5+s13], $0x40, s11, s13, $0xb8;
	[tilespmem:$0x1C200] =	vst v63  }
0x87: {  	s11 =	sadd.s32 $0x37F8, s9  }
0x88: {  	[tilespmem:s21], [sflag:$0x1] =	stream.indirect.gather [hbm4b:s5+s15], $0x40, s11, s15, $0xb8;
	[tilespmem:$0x1C200] =	vst v63  }
0x89: {  	_ =	swait.ge [sflag:s24], $0x6400  }
0x8a: {  	[sflag:s24] =	ssyncset.done $0x0  }
0x8b: {  	s10 =	simm.s32 $0x0;
	[sflag:s24] =	ssyncadd.s32 $0xFFFF9C00  }
0x8c: {  	v4 =	vld [tilespmem:s10+$0x0]  }
0x8d: {  	v2 =	vld [tilespmem:s10+$0x10]  }
0x8e: {  	v1 =	vld [tilespmem:s10+$0x20]  }
0x8f: {  	v3 =	vld [tilespmem:s10+$0x30]  }
0x90: {  	v0 =	vld [tilespmem:s10+$0x30]  }
0x91: {  	v5 =	vld [tilespmem:s10+$0x15E00]  }
0x92: {  	v10 =	vld [tilespmem:s10+$0x15E10]  }
0x93: {  	v9 =	vld [tilespmem:s10+$0x15E20]  }
0x94: {  	v8 =	vld [tilespmem:s10+$0x15E30]  }
0x95: {  	v7 =	vld [tilespmem:s10+$0x19000]  }
0x96: {  	v6 =	vld [tilespmem:s10+$0x19010];
	v11 =	vadd.f32 v4, v5  }
0x97: {  	s29 =	simm.s32 $0x100;
	v10 =	vadd.f32 v2, v10;
	v5 =	vld [tilespmem:s10+$0x19020]  }
.LBB2_7:
0x98: {  	s11 =	sshra.s32 s29, $0x2;
	p0 =	sne.s32 s29, $0xC700;
	[tilespmem:s10+$0x15E00] =	vst v11;
	v9 =	vadd.f32 v1, v9;
	v11 =	vld [tilespmem:s10+$0x19030]  }
0x99: {  	v12 =	vld [tilespmem:s11+$0x0];
	[tilespmem:s10+$0x15E10] =	vst v10;
	v3 =	vadd.f32 v3, v8  }
0x9a: {  	v8 =	vld [tilespmem:s11+$0x10];
	[tilespmem:s10+$0x15E20] =	vst v9;
	v4 =	vadd.f32 v4, v7  }
0x9b: {  	v7 =	vld [tilespmem:s11+$0x20];
	[tilespmem:s10+$0x15E30] =	vst v3;
	v2 =	vadd.f32 v2, v6  }
0x9c: {  	v3 =	vld [tilespmem:s11+$0x30];
	[tilespmem:s10+$0x19000] =	vst v4;
	v1 =	vadd.f32 v1, v5  }
0x9d: {  	[tilespmem:s10+$0x19010] =	vst v2;
	v6 =	vadd.f32 v0, v11;
	v0 =	vld [tilespmem:s11+$0x30]  }
0x9e: {  	v5 =	vld [tilespmem:s11+$0x15E00];
	[tilespmem:s10+$0x19020] =	vst v1;
	v4 =	vmov v12  }
0x9f: {  	v10 =	vld [tilespmem:s11+$0x15E10];
	[tilespmem:s10+$0x19030] =	vst v6;
	v2 =	vmov v8;
	s10 =	smov.u32 s11  }
.Ltmp2:
0xa0: {  	v9 =	vld [tilespmem:s10+$0x15E20];
	v1 =	vmov v7;
	(pc) =	sbr.rel @p0 .LBB2_7-.Ltmp2, $4  }
0xa1: {  	v8 =	vld [tilespmem:s10+$0x15E30]  }
0xa2: {  	v7 =	vld [tilespmem:s10+$0x19000]  }
0xa3: {  	v11 =	vadd.f32 v4, v5;
	v6 =	vld [tilespmem:s10+$0x19010]  }
0xa4: {  	s29 =	sadd.s32 $0x100, s29;
	v10 =	vadd.f32 v2, v10;
	v5 =	vld [tilespmem:s10+$0x19020]  }
0xa5: {  	[tilespmem:s10+$0x15E00] =	vst v11;
	v9 =	vadd.f32 v1, v9;
	v62 =	vld [tilespmem:s10+$0x19030]  }
0xa6: {  	[tilespmem:s10+$0x15E10] =	vst v10;
	v3 =	vadd.f32 v3, v8  }
0xa7: {  	[tilespmem:s10+$0x15E20] =	vst v9;
	v4 =	vadd.f32 v4, v7  }
0xa8: {  	s7 =	sshll.u32 s7, $0x1;
	p0 =	seq.s32 s12, $0x14;
	[tilespmem:s10+$0x15E30] =	vst v3;
	v2 =	vadd.f32 v2, v6  }
.Ltmp3:
0xa9: {  	s7 =	sadd.s32 s4, s7;
	[tilespmem:s10+$0x19000] =	vst v4;
	v63 =	vadd.f32 v1, v5;
	(pc) =	sbr.rel @p0 .LBB2_10-.Ltmp3, $4  }
0xaa: {  	s7 =	smul.u32 $0x640, s7;
	[tilespmem:s10+$0x19010] =	vst v2;
	v0 =	vadd.f32 v0, v62  }
0xab: {  	[tilespmem:s10+$0x19020] =	vst v63  }
0xac: {  	s7 =	sadd.s32 s2, s7;
	[tilespmem:s10+$0x19030] =	vst v0  }
0xad: {  	[hbm4b:s7+s3] =	stream.linear.scatter [tilespmem:s1], [sflag:$0x6], $0x6400, $0x38;
	[tilespmem:$0x1C200] =	vst v63  }
0xae: {  	_ =	swait.ge [sflag:s26], $0x6400  }
0xaf: {  	[sflag:s26] =	ssyncset.done $0x0  }
0xb0: {  	s7 =	sadd.s32 $0x3840, s9;
	[sflag:s26] =	ssyncadd.s32 $0xFFFF9C00  }
0xb1: {  	[tilespmem:s23], [sflag:$0x2] =	stream.indirect.gather [hbm4b:s5+s13], $0x40, s7, s13, $0xb8;
	[tilespmem:$0x1C200] =	vst v63  }
0xb2: {  	s10 =	sadd.s32 $0x38C0, s9  }
0xb3: {  	[tilespmem:s25], [sflag:$0x2] =	stream.indirect.gather [hbm4b:s5+s15], $0x40, s10, s15, $0xb8;
	[tilespmem:$0x1C200] =	vst v63  }
.Ltmp4:
0xb4: {  	_ = 	snop;
	(pc) =	sbr.rel .LBB2_2-.Ltmp4, $4  }
0xb5: {  	s11 =	sadd.s32 $0x3908, s9  }
0xb6: {  	[tilespmem:s28], [sflag:$0x2] =	stream.indirect.gather [hbm4b:s5+s13], $0x40, s11, s13, $0xb8;
	[tilespmem:$0x1C200] =	vst v63  }
0xb7: {  	s29 =	sadd.s32 $0x3988, s9;
	s12 =	sadd.s32 $0x1, s12  }
0xb8: {  	[tilespmem:s30], [sflag:$0x2] =	stream.indirect.gather [hbm4b:s5+s15], $0x40, s29, s15, $0xb8;
	[tilespmem:$0x1C200] =	vst v63  }
.LBB2_10:
0xb9: {  	_ =	swait.ge [sflag:s31], $0x6400  }
0xba: {  	[sflag:s31] =	ssyncset.done $0x0  }
0xbb: {  	s7 =	simm.s32 $0x0;
	[sflag:s31] =	ssyncadd.s32 $0xFFFF9C00  }
0xbc: {  	v4 =	vld [tilespmem:s7+$0x0]  }
0xbd: {  	v2 =	vld [tilespmem:s7+$0x10]  }
0xbe: {  	v1 =	vld [tilespmem:s7+$0x20]  }
0xbf: {  	v3 =	vld [tilespmem:s7+$0x30]  }
0xc0: {  	v0 =	vld [tilespmem:s7+$0x30]  }
0xc1: {  	v6 =	vld [tilespmem:s7+$0x9600]  }
0xc2: {  	v10 =	vld [tilespmem:s7+$0x9610]  }
0xc3: {  	v9 =	vld [tilespmem:s7+$0x9620]  }
0xc4: {  	v8 =	vld [tilespmem:s7+$0x9630]  }
0xc5: {  	v7 =	vld [tilespmem:s7+$0xC800]  }
0xc6: {  	v5 =	vld [tilespmem:s7+$0xC810];
	v11 =	vadd.f32 v4, v6  }
0xc7: {  	s9 =	simm.s32 $0x100;
	v10 =	vadd.f32 v2, v10;
	v6 =	vld [tilespmem:s7+$0xC820]  }
.LBB2_11:
0xc8: {  	s10 =	sshra.s32 s9, $0x2;
	p0 =	sne.s32 s9, $0xC700;
	[tilespmem:s7+$0x9600] =	vst v11;
	v9 =	vadd.f32 v1, v9;
	v11 =	vld [tilespmem:s7+$0xC830]  }
0xc9: {  	v12 =	vld [tilespmem:s10+$0x0];
	[tilespmem:s7+$0x9610] =	vst v10;
	v3 =	vadd.f32 v3, v8  }
0xca: {  	v8 =	vld [tilespmem:s10+$0x10];
	[tilespmem:s7+$0x9620] =	vst v9;
	v4 =	vadd.f32 v4, v7  }
0xcb: {  	v7 =	vld [tilespmem:s10+$0x20];
	[tilespmem:s7+$0x9630] =	vst v3;
	v2 =	vadd.f32 v2, v5  }
0xcc: {  	v3 =	vld [tilespmem:s10+$0x30];
	[tilespmem:s7+$0xC800] =	vst v4;
	v1 =	vadd.f32 v1, v6  }
0xcd: {  	[tilespmem:s7+$0xC810] =	vst v2;
	v9 =	vadd.f32 v0, v11;
	v0 =	vld [tilespmem:s10+$0x30]  }
0xce: {  	v5 =	vld [tilespmem:s10+$0x9600];
	[tilespmem:s7+$0xC820] =	vst v1;
	v4 =	vmov v12  }
0xcf: {  	v6 =	vld [tilespmem:s10+$0x9610];
	[tilespmem:s7+$0xC830] =	vst v9;
	v2 =	vmov v8;
	s7 =	smov.u32 s10  }
.Ltmp5:
0xd0: {  	v9 =	vld [tilespmem:s7+$0x9620];
	v1 =	vmov v7;
	(pc) =	sbr.rel @p0 .LBB2_11-.Ltmp5, $4  }
0xd1: {  	v8 =	vld [tilespmem:s7+$0x9630]  }
0xd2: {  	v7 =	vld [tilespmem:s7+$0xC800]  }
0xd3: {  	v11 =	vadd.f32 v4, v5;
	v5 =	vld [tilespmem:s7+$0xC810]  }
0xd4: {  	s9 =	sadd.s32 $0x100, s9;
	v10 =	vadd.f32 v2, v6;
	v6 =	vld [tilespmem:s7+$0xC820]  }
0xd5: {  	[tilespmem:s7+$0x9600] =	vst v11;
	v9 =	vadd.f32 v1, v9;
	v62 =	vld [tilespmem:s7+$0xC830]  }
0xd6: {  	[tilespmem:s7+$0x9610] =	vst v10;
	v3 =	vadd.f32 v3, v8  }
0xd7: {  	[tilespmem:s7+$0x9620] =	vst v9;
	v4 =	vadd.f32 v4, v7  }
0xd8: {  	[tilespmem:s7+$0x9630] =	vst v3;
	v2 =	vadd.f32 v2, v5  }
0xd9: {  	[tilespmem:s7+$0xC800] =	vst v4;
	v63 =	vadd.f32 v1, v6  }
0xda: {  	[tilespmem:s7+$0xC810] =	vst v2;
	v0 =	vadd.f32 v0, v62  }
0xdb: {  	[tilespmem:s7+$0xC820] =	vst v63  }
0xdc: {  	s12 =	rddreg [dreg:$0x5];
	[tilespmem:s7+$0xC830] =	vst v0  }
0xdd: {  	[hbm4b:s12+s3] =	stream.linear.scatter [tilespmem:s14], [sflag:$0x4], $0x6400, $0x38;
	[tilespmem:$0x1C200] =	vst v63  }
0xde: {  	_ =	swait.ge [sflag:s22], $0x6400  }
0xdf: {  	[sflag:s22] =	ssyncset.done $0x0  }
0xe0: {  	[sflag:s22] =	ssyncadd.s32 $0xFFFF9C00  }
0xe1: {  	_ =	swait.ge [sflag:s26], $0x6400  }
0xe2: {  	[sflag:s26] =	ssyncset.done $0x0  }
0xe3: {  	s9 =	simm.s32 $0x6;
	[sflag:s26] =	ssyncadd.s32 $0xFFFF9C00  }
0xe4: {  	_ =	swait.ge [sflag:s9], $0x6400  }
0xe5: {  	s6 =	sadd.s32 $0x1, s6;
	s29 =	rddreg [dreg:$0x6]  }
0xe6: {  	p0 =	sne.s32 s6, s29  }
.Ltmp6:
0xe7: {  	_ = 	snop;
	(pc) =	sbr.rel @p0 .LBB2_1-.Ltmp6, $3  }
0xe8: {  	_ =	sdelay $0x1  }
0xe9: {  	[sflag:s9] =	ssyncset.done $0x0  }
0xea: {  	[sflag:s9] =	ssyncadd.s32 $0xFFFF9C00  }
0xeb: {  	_ =	sfence.sel $0x180000  }
0xec: {  	[bflag:$0x0] =	sbarrier.arrive $0xFFFF  }
0xed: {  	_ =	strace $0x90000047  }
0xee: {  	s0 =	stileid.u32;
	[bflag:$0x2] =	sbarrier.arrive $0xFFFF  }
0xef: {  	p0 =	sne.s32 s0, $0x0;
	s0 =	rddreg [dreg:$0x2]  }
0xf0: {  	s0 =	sadd.s32 @!p0 $0x100000, s0  }
0xf1: {  	[sflag:s0] =	ssyncadd.tile.s32 @!p0 $0x1;
	_ =	shalt  }
.Lfunc_end2:
_tile_overlayer_lowered:
.L_overlay_start_2:
0xf2: {  	(tag) =	ssettag $0x2  }
0xf3: {  	s0 =	rddreg [dreg:$0x0];
	s2 =	stileid.u32  }
0xf4: {  	s1 =	rddreg [dreg:$0x1];
	p0 =	sne.s32 s2, $0x0  }
0xf5: {  	s3 =	rddreg [dreg:$0x2];
	[bflag:$0x3] =	sbarrier.arrive $0xFFFF;
	s2 =	simm.s32 @!p0 $0x1C07  }
0xf6: {  	[timem:s3], [sflag:s2] =	dma.local @!p0 [hbm:s0], s1  }
0xf7: {  	s0 =	simm.s32 @!p0 $0x7  }
0xf8: {  	_ =	swait.ge @!p0 [sflag:s0], s1  }
0xf9: {  	s1 =	ssub.s32 @!p0 $0x0, s1;
	[sflag:s0] =	ssyncset.done @!p0 $0x0  }
0xfa: {  	[sflag:s0] =	ssyncadd.s32 @!p0 s1  }
0xfb: {  	[bflag:$0x3] =	sbarrier.arrive $0xFFFF  }
0xfc: {  	_ =	shalt  }

// kernel: sparse-core-data-format-call.cloned.1.call-start
scs
called_computation_lowered:
.L_overlay_start_0:
0x0: {  	s2 =	sld [smem:$0x3FD9]  }
0x1: {  	s3 =	sld [smem:$0x3FFE];
	_ =	sdelay $0x1  }
0x2: {  	s1 =	srdreg.scid  }
0x3: {  	s0 =	sand.u32 $0x1, s1  }
0x4: {  	s18 =	sshll.u32 s0, $0xA;
	s2 =	sadd.s32 s3, s2  }
0x5: {  	s2 =	sadd.s32 s2, s18  }
0x6: {  	[smem:$0x3FC5] =	sst s2  }
0x7: {  	_ = 	snop  }
0x8: {  	s2 =	sld [smem:$0x3FD0];
	(tm) =	ssettm $0x1  }
0x9: {  	s19 =	sld [smem:$0x3FFB];
	_ =	sdelay $0x3  }
0xa: {  	_ =	strace s19  }
0xb: {  	s3 =	sld [smem:$0x3FFC];
	_ =	sdelay $0x3  }
0xc: {  	_ =	strace s3  }
0xd: {  	s3 =	sld [smem:$0x3FFD];
	_ =	sdelay $0x3  }
0xe: {  	_ =	strace s3  }
0xf: {  	_ =	strace $0x8FFFFFFF  }
0x10: {  	s20 =	sld [smem:$0x3FDB];
	_ =	sdelay $0x1  }
0x11: {  	s4 =	simm.s32 $_scs_section_size  }
0x12: {  	s5 =	simm.s32 $_size__tile_overlayer_lowered;
	s6 =	simm.s32 $_tile_overlayer_lowered  }
0x13: {  	s23 =	simm.s32 $0x1BFF;
	s22 =	sshll.u32 s6, $0x1;
	s3 =	sadd.s32 s4, s20  }
0x14: {  	s7 =	simm.s32 $0x0;
	s21 =	sshll.u32 s5, $0x1;
	s5 =	sadd.s32 s22, s3  }
0x15: {  	[timem:s7], [sflag:s23] =	dma.local [hbm:s5], s21  }
0x16: {  	_ =	swait.ge [sflag:s23], s21  }
0x17: {  	s4 =	ssub.s32 $0x0, s21;
	[sflag:s23] =	ssyncset.done $0x0  }
0x18: {  	[sflag:s23] =	ssyncadd.s32 s4;
	_ =	sdelay $0x1  }
0x19: {  	s24 =	simm.s32 $0x1B8B  }
0x1a: {  	_ =	swait.ge [sflag:s24], $0x1  }
0x1b: {  	[sflag:s24] =	ssyncset.done $0x0  }
0x1c: {  	s26 =	simm.s32 $0x1B8E;
	s25 =	sld [smem:$0x3FFE];
	[sflag:s24] =	ssyncadd.s32 $0xFFFFFFFF  }
0x1d: {  	s27 =	simm.s32 $execute0_lowered;
	[smem:$0x3FD2] =	sst s26  }
0x1e: {  	s5 =	sshll.u32 s27, $0x1;
	_ =	strace $0x80000049;
	[dreg:$0x1] =	wrdreg $0xFFFFFFFF  }
0x1f: {  	s28 =	simm.s32 $_size_execute0_lowered;
	s3 =	sadd.s32 s3, s5;
	[dreg:$0x0] =	wrdreg $0x0  }
0x20: {  	s5 =	sshll.u32 s28, $0x1;
	[dreg:$0x2] =	wrdreg s3  }
0x21: {  	[dreg:$0x3] =	wrdreg s5  }
0x22: {  	[dreg:$0x4] =	wrdreg $0xC0  }
0x23: {  	_ =	task [dreg:s7], $0x5FFFF  }
0x24: {  	[dreg:$0x1] =	wrdreg $0xFFFFFFFF  }
0x25: {  	[dreg:$0x0] =	wrdreg $0x60  }
0x26: {  	[dreg:$0x2] =	wrdreg s25  }
0x27: {  	[dreg:$0x3] =	wrdreg s2  }
0x28: {  	[dreg:$0x4] =	wrdreg $0x9  }
0x29: {  	_ =	task.clear_ibuf [dreg:s7], $0x5FFFF;
	_ =	strace $0x90000049  }
0x2a: {  	s29 =	simm.s32 $0x9;
	_ =	strace $0x8000004B  }
0x2b: {  	_ =	swait.ge [sflag:s29], $0x1  }
0x2c: {  	[sflag:s29] =	ssyncadd.s32 $0xFFFFFFFF  }
0x2d: {  	_ =	strace $0x9000004B  }
0x2e: {  	_ =	sfence  }
0x2f: {  	s30 =	sld [smem:$0x0];
	_ =	sdelay $0x2  }
0x30: {  	s31 =	sshll.u32 s1, $0xD;
	s1 =	sshrl.u32 s1, $0x2  }
0x31: {  	s3 =	sand.u32 $0x4000, s31;
	s1 =	sadd.s32 s1, s30  }
0x32: {  	s0 =	sor.u32 s3, s0;
	s1 =	sshll.u32 s1, $0x11  }
0x33: {  	s0 =	sor.u32 s1, s0  }
0x34: {  	s0 =	sadd.s32 $0x8F2B, s0  }
0x35: {  	[sflag:s0] =	ssyncadd.remote.s32 $0x1  }
0x36: {  	_ =	sfence.sel $0xFFFF  }
0x37: {  	[dreg:$0x0] =	wrdreg $0xFFFFFFFF;
	(pc) =	sbr.abs _section_cstart, $3  }
0x38: {  	[dreg:$0x1] =	wrdreg $0xFFFFFFFF  }
0x39: {  	_ =	task.clear_ibuf [dreg:s7], $0x2FFFF;
	_ =	strace $0x9FFFFFFF  }
0x3a: {  	(tm) =	ssettm $0x7FFFFFFF  }
0x3b: {  	_ =	shalt  }
tec
execute0_lowered:
.L_overlay_start_1:
0x0: {  	(tag) =	ssettag $0x1  }
0x1: {  	s0 =	srdreg.scid  }
0x2: {  	s1 =	sshll.u32 s0, $0x4  }
0x3: {  	s0 =	stileid.u32;
	s1 =	sand.u32 $0x10, s1  }
0x4: {  	s1 =	sor.u32 s0, s1  }
0x5: {  	s6 =	rddreg [dreg:$0x0];
	s4 =	simm.s32 $0x1;
	s2 =	sshll.u32 s1, $0x7  }
0x6: {  	s7 =	simm.s32 $0x2;
	s12 =	simm.s32 $0x0;
	s1 =	ssub.s32 $0x1000, s2  }
0x7: {  	s8 =	simm.s32 $0x8000;
	s13 =	simm.s32 $0x0;
	s3 =	sand.u32 $0xF80, s1  }
0x8: {  	s9 =	simm.s32 $0x0;
	s5 =	sshrl.u32 s1, $0xC;
	p0 =	sne.s32 s3, $0x0  }
.Ltmp0:
0x9: {  	s1 =	rddreg [dreg:$0x2];
	s4 =	simm.s32 @!p0 $0x0;
	(pc) =	sbr.rel .LBB1_1-.Ltmp0, $4  }
0xa: {  	s11 =	simm.s32 $0x0;
	s3 =	rddreg [dreg:$0x1];
	s5 =	sadd.s32 s4, s5  }
0xb: {  	_ =	strace $0x8000004A;
	s4 =	simm.s32 $0x1;
	s5 =	smul.u32 $0xC8, s5  }
0xc: {  	s6 =	sadd.s32 $0xC00, s6;
	s10 =	smov.u32 s2;
	[sflag:s4] =	ssyncpa.u1 $0x0  }
0xd: {  	p0 =	por $0x0, $0x0;
	[sflag:s7] =	ssyncpa.u1 $0x0;
	s7 =	sor.u32 $0x1, s5  }
.LBB1_4:
0xe: {  	s16 =	sshll.u32 s13, $0x3;
	s17 =	sand.u32 $0x78, s13  }
0xf: {  	s30 =	sand.u32 $0x7E00, s13;
	s12 =	sshll.u32 s12, $0xF;
	s16 =	sand.u32 $0xC00, s16  }
0x10: {  	[tilespmem:s15+$0x810 ss:$0x81] =	vst.msk $0xffff, v2;
	s31 =	sand.u32 $0x7, s13;
	s16 =	sor.u32 s17, s16;
	s17 =	sadd.s32 s3, s30  }
0x11: {  	[tilespmem:s15+$0x1020 ss:$0x81] =	vst.msk $0xffff, v0;
	s13 =	sshll.u32 s31, $0x12;
	s12 =	sadd.s32 s12, s17;
	s16 =	sshrl.u32 s16, $0x3  }
0x12: {  	[tilespmem:s15+$0x0 ss:$0x81] =	vst.msk $0xffff, v1;
	s13 =	sor.u32 $0x400, s13;
	s12 =	sadd.s32 s16, s12  }
0x13: {  	[hbm4b:s12+s13] =	stream.strided.scatter [tilespmem:s14], [sflag:$0x2], $0x2000, s8, s13, $0x20;
	[tilespmem:$0x8080] =	vst v63  }
.LBB1_5:
0x14: {  	s14 =	sadd.s32 $0x1, s9  }
0x15: {  	s12 =	sadd.s32 $0x1000, s10;
	s16 =	smov.u32 s10;
	p2 =	sgt.s32 s14, $0xC7  }
0x16: {  	s16 =	smov.u32 @p2 s12  }
0x17: {  	s14 =	simm.s32 @p2 $0x0;
	p2 =	sgt.s32 s16, $0xFFF  }
0x18: {  	s16 =	smov.u32 @p2 s2;
	p2 =	sne.s32 s11, s7  }
.Ltmp1:
0x19: {  	p1 =	slt.u32 s11, $0x2;
	(pc) =	sbr.rel @!p2 .LBB1_6-.Ltmp1, $4  }
0x1a: {  	s15 =	simm.s32 @!p1 $0x2  }
0x1b: {  	s13 =	smov.u32 s10;
	p0 =	por !p0, !p0;
	_ =	swait.ge @!p1 [sflag:s15], $0x2000  }
0x1c: {  	s12 =	smov.u32 s9;
	[sflag:s15] =	ssyncset.done @!p1 $0x0;
	s9 =	smov.u32 s14  }
0x1d: {  	s11 =	sadd.s32 $0x1, s11;
	[sflag:s15] =	ssyncadd.s32 @!p1 $0xFFFFE000;
	s10 =	smov.u32 s16  }
.LBB1_1:
0x1e: {  	p1 =	sge.u32 s11, s5  }
0x1f: {  	s14 =	sand.u32 @!p1 $0x1FFFFFF, s9  }
0x20: {  	s15 =	smulhi.u32 @!p1 $0x147AE15, s14;
	_ =	sdelay $0x1  }
0x21: {  	s15 =	smul.u32 @!p1 $0xC8, s15  }
0x22: {  	s16 =	sxor.u32 @!p1 $0xFFFFFFFF, s11;
	s17 =	smul.u32 @!p1 $0xC80, s10  }
0x23: {  	s31 =	sadd.s32 $0xFFFFFFFF, s11;
	s16 =	sshll.u32 @!p1 s16, $0xD;
	s14 =	ssub.s32 @!p1 s14, s15  }
0x24: {  	s15 =	sand.u32 @!p1 $0x2000, s16;
	s16 =	sadd.s32 @!p1 s6, s17;
	s14 =	sshll.u32 @!p1 s14, $0x4  }
0x25: {  	s17 =	simm.s32 @!p1 $0x6400;
	s14 =	sadd.s32 @!p1 s14, s16;
	s16 =	simm.s32 @!p1 $0x40  }
0x26: {  	[tilespmem:s15], [sflag:$0x1] =	stream.strided.gather @!p1 [hbm4b:s14+s16], $0x2000, s17, s16, $0x38;
	[tilespmem:$0x8080] =	vst v63  }
0x27: {  	p1 =	sge.u32 s31, s5  }
.Ltmp2:
0x28: {  	_ = 	snop;
	(pc) =	sbr.rel @p1 .LBB1_5-.Ltmp2, $1  }
0x29: {  	_ =	sdelay $0x3  }
0x2a: {  	s14 =	simm.s32 $0x1  }
0x2b: {  	_ =	swait.ge [sflag:s4], $0x2000;
	s14 =	simm.s32 @!p0 $0x0  }
0x2c: {  	[sflag:s4] =	ssyncset.done $0x0;
	s15 =	sshll.u32 s14, $0xD  }
0x2d: {  	[sflag:s4] =	ssyncadd.s32 $0xFFFFE000;
	s18 =	sor.u32 $0x20, s15  }
0x2e: {  	s14 =	smul.u32 $0x8100, s14;
	v3 =	vld [tilespmem:s18+$0x10]  }
0x2f: {  	s30 =	sand.u32 $0x1, s11;
	v2 =	vld [tilespmem:s18+$0xFFFFFFF0]  }
0x30: {  	s15 =	smul.u32 $0x8100, s30;
	s14 =	sshrl.u32 s14, $0x2;
	v0 =	vld [tilespmem:s18+$0x0]  }
0x31: {  	v1 =	vld [tilespmem:s18+$0xFFFFFFE0];
	s16 =	sor.u32 $0x4000, s14  }
0x32: {  	s31 =	sshrl.u32 s15, $0x2;
	s15 =	sadd.s32 $0x0, s16  }
0x33: {  	s17 =	simm.s32 $0x4;
	s18 =	sadd.s32 $0x40, s18;
	s14 =	sor.u32 $0x4000, s31;
	[tilespmem:s15+$0x1830 ss:$0x81] =	vst.msk $0xffff, v3  }
.LBB1_3:
0x34: {  	v3 =	vld [tilespmem:s18+$0x10];
	p1 =	sne.s32 s17, $0x1FC;
	[tilespmem:s15+$0x810 ss:$0x81] =	vst.msk $0xffff, v2;
	s19 =	smov.u32 s17;
	s17 =	sadd.s32 $0x4, s17  }
.Ltmp3:
0x35: {  	v2 =	vld [tilespmem:s18+$0xFFFFFFF0];
	[tilespmem:s15+$0x1020 ss:$0x81] =	vst.msk $0xffff, v0;
	(pc) =	sbr.rel @p1 .LBB1_3-.Ltmp3, $4  }
0x36: {  	v0 =	vld [tilespmem:s18+$0x0];
	[tilespmem:s15+$0x0 ss:$0x81] =	vst.msk $0xffff, v1  }
0x37: {  	s15 =	sshra.s32 s19, $0x2;
	v1 =	vld [tilespmem:s18+$0xFFFFFFE0]  }
0x38: {  	s15 =	sadd.s32 s15, s16  }
0x39: {  	s18 =	sadd.s32 $0x40, s18;
	[tilespmem:s15+$0x1830 ss:$0x81] =	vst.msk $0xffff, v3  }
.Ltmp4:
0x3a: {  	_ = 	snop;
	(pc) =	sbr.rel .LBB1_4-.Ltmp4, $1  }
0x3b: {  	_ =	sdelay $0x3  }
.LBB1_6:
0x3c: {  	_ =	sfence.sel $0x180000  }
0x3d: {  	s2 =	simm.s32 $0x1;
	[bflag:$0x0] =	sbarrier.arrive $0xFFFF  }
0x3e: {  	s31 =	simm.s32 $0x2;
	[sflag:s2] =	ssyncpa.u1 $0x1  }
0x3f: {  	[sflag:s31] =	ssyncpa.u1 $0x1  }
0x40: {  	p0 =	sne.s32 s0, $0x0;
	_ =	strace $0x9000004A  }
0x41: {  	s0 =	sadd.s32 @!p0 $0x100000, s1;
	[bflag:$0x2] =	sbarrier.arrive $0xFFFF  }
0x42: {  	[sflag:s0] =	ssyncadd.tile.s32 @!p0 $0x1;
	_ =	shalt  }
.Lfunc_end1:
_tile_overlayer_lowered:
.L_overlay_start_2:
0x43: {  	(tag) =	ssettag $0x2  }
0x44: {  	s0 =	rddreg [dreg:$0x0];
	s2 =	stileid.u32  }
0x45: {  	s1 =	rddreg [dreg:$0x1];
	p0 =	sne.s32 s2, $0x0  }
0x46: {  	s3 =	rddreg [dreg:$0x2];
	[bflag:$0x3] =	sbarrier.arrive $0xFFFF;
	s2 =	simm.s32 @!p0 $0x1C01  }
0x47: {  	[timem:s3], [sflag:s2] =	dma.local @!p0 [hbm:s0], s1  }
0x48: {  	s0 =	simm.s32 @!p0 $0x1  }
0x49: {  	_ =	swait.ge @!p0 [sflag:s0], s1  }
0x4a: {  	s1 =	ssub.s32 @!p0 $0x0, s1;
	[sflag:s0] =	ssyncset.done @!p0 $0x0  }
0x4b: {  	[sflag:s0] =	ssyncadd.s32 @!p0 s1  }
0x4c: {  	[bflag:$0x3] =	sbarrier.arrive $0xFFFF  }
0x4d: {  	_ =	shalt  }

</sc_bundles>
